<compile_context>
chip_gen: v7x
topology: tpu7x:2x2x1
jax: 0.10.2.dev20260603
libtpu: 0.0.44.dev20260713+nightly
codegen_flags: <defaults>
</compile_context>

<pallas_src>
import functools

import jax
import jax.numpy as jnp
from jax import lax
from jax.experimental import pallas as pl
from jax.experimental.pallas import tpu as pltpu
from jax.experimental.pallas import tpu_sc as plsc

_VOCAB = 1000000
_EMB = 64
_BATCH = 4096
_HIST = 200
_B = _BATCH * _HIST
_NW = 32
_UNITS = _HIST * (_BATCH // 256)
_UPW = _UNITS // _NW

_mesh = plsc.VectorSubcoreMesh(core_axis_name="c", subcore_axis_name="s")


@functools.partial(
    pl.kernel,
    mesh=_mesh,
    out_type=jax.ShapeDtypeStruct((_B, _EMB), jnp.float32),
    scratch_types=[
        pltpu.VMEM((256,), jnp.int32),
        pltpu.VMEM((256,), jnp.int32),
        pltpu.VMEM((256,), jnp.int32),
        pltpu.VMEM((256,), jnp.int32),
        pltpu.VMEM((256, _EMB), jnp.float32),
        pltpu.VMEM((256, _EMB), jnp.float32),
        pltpu.VMEM((256, _EMB), jnp.float32),
        pltpu.VMEM((256, _EMB), jnp.float32),
        pltpu.SemaphoreType.DMA,
        pltpu.SemaphoreType.DMA,
        pltpu.SemaphoreType.DMA,
        pltpu.SemaphoreType.DMA,
        pltpu.SemaphoreType.DMA,
        pltpu.SemaphoreType.DMA,
        pltpu.SemaphoreType.DMA,
        pltpu.SemaphoreType.DMA,
        pltpu.SemaphoreType.DMA,
        pltpu.SemaphoreType.DMA,
        pltpu.SemaphoreType.DMA,
        pltpu.SemaphoreType.DMA,
    ],
    compiler_params=pltpu.CompilerParams(
        use_tc_tiling_on_sc=False, skip_device_barrier=True),
)
def _emb_lookup(xT_hbm, table_hbm, out_hbm,
                ix0, ix1, ix2, ix3, rw0, rw1, rw2, rw3,
                sx0, sx1, sx2, sx3, sg0, sg1, sg2, sg3, so0, so1, so2, so3):
    wid = lax.axis_index("s") * 2 + lax.axis_index("c")
    u_lo = _UPW * wid
    idx = [ix0, ix1, ix2, ix3]
    rows = [rw0, rw1, rw2, rw3]
    sx = [sx0, sx1, sx2, sx3]
    sg = [sg0, sg1, sg2, sg3]
    so = [so0, so1, so2, so3]

    def tb(u):
        return u // 16, lax.rem(u, 16)

    def start_idx(u, s):
        t, bc = tb(u)
        pltpu.async_copy(xT_hbm.at[t, pl.ds(bc * 256, 256)], idx[s], sx[s])

    def wait_idx(u, s):
        t, bc = tb(u)
        pltpu.make_async_copy(
            xT_hbm.at[t, pl.ds(bc * 256, 256)], idx[s], sx[s]).wait()

    def start_gather(s):
        pltpu.async_copy(table_hbm.at[idx[s]], rows[s], sg[s])

    def wait_gather(s):
        pltpu.make_async_copy(table_hbm.at[idx[s]], rows[s], sg[s]).wait()

    def start_out(u, s):
        t, bc = tb(u)
        pltpu.async_copy(
            rows[s], out_hbm.at[pl.ds(t * _BATCH + bc * 256, 256), :], so[s])

    def wait_out(u, s):
        t, bc = tb(u)
        pltpu.make_async_copy(
            rows[s], out_hbm.at[pl.ds(t * _BATCH + bc * 256, 256), :],
            so[s]).wait()

    for s in range(4):
        start_idx(u_lo + s, s)
    wait_idx(u_lo + 0, 0)
    start_gather(0)
    wait_idx(u_lo + 1, 1)
    start_gather(1)

    def step(q, carry):
        for s in range(4):
            u = u_lo + 4 * q + s
            wait_gather(s)
            start_out(u, s)

            @pl.when(4 * q + s + 4 < _UPW)
            def _():
                start_idx(u + 4, s)

            nxt = (s + 2) % 4

            @pl.when(4 * q + s + 2 < _UPW)
            def _():
                @pl.when(4 * q + s >= 2)
                def _():
                    wait_out(u - 2, nxt)

                wait_idx(u + 2, nxt)
                start_gather(nxt)

        return carry

    lax.fori_loop(0, _UPW // 4, step, 0)
    wait_out(u_lo + _UPW - 4, 0)
    wait_out(u_lo + _UPW - 3, 1)
    wait_out(u_lo + _UPW - 2, 2)
    wait_out(u_lo + _UPW - 1, 3)


def kernel(x, emb_table):
    xT = jnp.swapaxes(x, 0, 1).astype(jnp.int32)
    outT = _emb_lookup(xT, emb_table)
    return outT.reshape(_HIST, _BATCH, _EMB).transpose(1, 0, 2)

# --- scband reference (transcript-rebuilt; emitter-appended) ---
"""Pipeline reference for scband-token-embedding-78889959293636 (READ-ONLY COPY).

The authoritative reference and input builder live on the scoring server;
editing this copy changes nothing except your own understanding.
"""

import jax, jax.numpy as jnp
import numpy as np

VOCAB = 1000000
EMB_DIM = 64
BATCH = 4096
HIST = 200

def setup_inputs(seed: int = 0) -> dict:
    key = jax.random.key(seed)
    k_idx, k_w = jax.random.split(key)
    x = jax.random.randint(k_idx, (BATCH, HIST), 0, VOCAB, dtype=jnp.int64 if jax.config.jax_enable_x64 else jnp.int32)
    emb_table = jax.random.normal(k_w, (VOCAB, EMB_DIM), dtype=jnp.float32) * 0.02
    return {"x": x, "emb_table": emb_table}

def reference(x, emb_table):
    # TokenEmbedding.forward: plain embedding lookup (bits=None -> unquantized weights)
    return jnp.take(emb_table, x, axis=0)

if __name__ == "__main__":
    import jax
    _d = setup_inputs()
    print(jax.jit(kernel)(*tuple(_d.values())))

</pallas_src>

<mosaic_0001>
#map = affine_map<(d0, d1) -> (0, 0)>
module attributes {stable_mosaic.version = 14 : i64} {
  func.func @_emb_lookup(%arg0: i32, %arg1: i32, %arg2: memref<200x4096xi32, #tpu.memory_space<hbm>>, %arg3: memref<1000000x64xf32, #tpu.memory_space<hbm>>, %arg4: memref<819200x64xf32, #tpu.memory_space<hbm>>, %arg5: memref<256xi32, #tpu.memory_space<vmem>>, %arg6: memref<256xi32, #tpu.memory_space<vmem>>, %arg7: memref<256xi32, #tpu.memory_space<vmem>>, %arg8: memref<256xi32, #tpu.memory_space<vmem>>, %arg9: memref<256x64xf32, #tpu.memory_space<vmem>>, %arg10: memref<256x64xf32, #tpu.memory_space<vmem>>, %arg11: memref<256x64xf32, #tpu.memory_space<vmem>>, %arg12: memref<256x64xf32, #tpu.memory_space<vmem>>, %arg13: memref<!tpu.dma_semaphore, #tpu.memory_space<semaphore_mem>>, %arg14: memref<!tpu.dma_semaphore, #tpu.memory_space<semaphore_mem>>, %arg15: memref<!tpu.dma_semaphore, #tpu.memory_space<semaphore_mem>>, %arg16: memref<!tpu.dma_semaphore, #tpu.memory_space<semaphore_mem>>, %arg17: memref<!tpu.dma_semaphore, #tpu.memory_space<semaphore_mem>>, %arg18: memref<!tpu.dma_semaphore, #tpu.memory_space<semaphore_mem>>, %arg19: memref<!tpu.dma_semaphore, #tpu.memory_space<semaphore_mem>>, %arg20: memref<!tpu.dma_semaphore, #tpu.memory_space<semaphore_mem>>, %arg21: memref<!tpu.dma_semaphore, #tpu.memory_space<semaphore_mem>>, %arg22: memref<!tpu.dma_semaphore, #tpu.memory_space<semaphore_mem>>, %arg23: memref<!tpu.dma_semaphore, #tpu.memory_space<semaphore_mem>>, %arg24: memref<!tpu.dma_semaphore, #tpu.memory_space<semaphore_mem>>) attributes {dimension_semantics = [#tpu.dimension_semantics<core_parallel>, #tpu.dimension_semantics<subcore_parallel>], iteration_bounds = array<i64: 2, 16>, scalar_prefetch = 0 : i64, scratch_operands = 20 : i64, tpu.core_type = #tpu.core_type<sc_vector_subcore>, window_params = [{transform_indices = #map}, {transform_indices = #map}, {transform_indices = #map}]} {
    %mul3A = arith.constant 2 : i32
    %mul3A_0 = arith.muli %arg1, %mul3A : i32
    %add3A = arith.addi %mul3A_0, %arg0 : i32
    %mul3A_1 = arith.constant 100 : i32
    %mul3A_2 = arith.muli %mul3A_1, %add3A : i32
    %add3A_3 = arith.constant 0 : i32
    %add3A_4 = arith.addi %mul3A_2, %add3A_3 : i32
    %jit3A = arith.constant 16 : i32
    %div3A = arith.divsi %add3A_4, %jit3A : i32
    %sign3A = arith.constant 0 : i32
    %sign3A_5 = arith.cmpi sgt, %add3A_4, %sign3A : i32
    %sign3A_6 = arith.extui %sign3A_5 : i1 to i32
    %sign3A_7 = arith.constant 0 : i32
    %sign3A_8 = arith.cmpi slt, %add3A_4, %sign3A_7 : i32
    %sign3A_9 = arith.extui %sign3A_8 : i1 to i32
    %sign3A_10 = arith.subi %sign3A_6, %sign3A_9 : i32
    %sign3A_11 = arith.constant 0 : i32
    %sign3A_12 = arith.cmpi sgt, %jit3A, %sign3A_11 : i32
    %sign3A_13 = arith.extui %sign3A_12 : i1 to i32
    %sign3A_14 = arith.constant 0 : i32
    %sign3A_15 = arith.cmpi slt, %jit3A, %sign3A_14 : i32
    %sign3A_16 = arith.extui %sign3A_15 : i1 to i32
    %sign3A_17 = arith.subi %sign3A_13, %sign3A_16 : i32
    %ne3A = arith.cmpi ne, %sign3A_10, %sign3A_17 : i32
    %rem3A = arith.remsi %add3A_4, %jit3A : i32
    %ne3A_18 = arith.constant 0 : i32
    %ne3A_19 = arith.cmpi ne, %rem3A, %ne3A_18 : i32
    %and3A = arith.andi %ne3A, %ne3A_19 : i1
    %sub3A = arith.constant 1 : i32
    %sub3A_20 = arith.subi %div3A, %sub3A : i32
    %select_n3A = arith.select %and3A, %sub3A_20, %div3A : i32
    %rem3A_21 = arith.constant 16 : i32
    %rem3A_22 = arith.remsi %add3A_4, %rem3A_21 : i32
    %mul3A_23 = arith.constant 256 : i32
    %mul3A_24 = arith.muli %rem3A_22, %mul3A_23 : i32
    %dma_start3A = tpu.memref_slice %arg2[%select_n3A, %mul3A_24] : memref<200x4096xi32, #tpu.memory_space<hbm>> -> memref<1x256xi32, #tpu.memory_space<hbm>>
    %dma_start3A_25 = tpu.memref_squeeze %dma_start3A : memref<1x256xi32, #tpu.memory_space<hbm>> -> memref<256xi32, #tpu.memory_space<hbm>>
    %dma_start3A_26 = tpu.memref_slice %arg2[%select_n3A, %mul3A_24] : memref<200x4096xi32, #tpu.memory_space<hbm>> -> memref<1x256xi32, #tpu.memory_space<hbm>>
    %dma_start3A_27 = tpu.memref_squeeze %dma_start3A_26 : memref<1x256xi32, #tpu.memory_space<hbm>> -> memref<256xi32, #tpu.memory_space<hbm>>
    tpu.enqueue_dma source(%dma_start3A_27 : memref<256xi32, #tpu.memory_space<hbm>>) target(%arg5 : memref<256xi32, #tpu.memory_space<vmem>>) target_semaphore(%arg13 : memref<!tpu.dma_semaphore, #tpu.memory_space<semaphore_mem>>)
    %add3A_28 = arith.constant 1 : i32
    %add3A_29 = arith.addi %mul3A_2, %add3A_28 : i32
    %jit3A_30 = arith.constant 16 : i32
    %div3A_31 = arith.divsi %add3A_29, %jit3A_30 : i32
    %sign3A_32 = arith.constant 0 : i32
    %sign3A_33 = arith.cmpi sgt, %add3A_29, %sign3A_32 : i32
    %sign3A_34 = arith.extui %sign3A_33 : i1 to i32
    %sign3A_35 = arith.constant 0 : i32
    %sign3A_36 = arith.cmpi slt, %add3A_29, %sign3A_35 : i32
    %sign3A_37 = arith.extui %sign3A_36 : i1 to i32
    %sign3A_38 = arith.subi %sign3A_34, %sign3A_37 : i32
    %sign3A_39 = arith.constant 0 : i32
    %sign3A_40 = arith.cmpi sgt, %jit3A_30, %sign3A_39 : i32
    %sign3A_41 = arith.extui %sign3A_40 : i1 to i32
    %sign3A_42 = arith.constant 0 : i32
    %sign3A_43 = arith.cmpi slt, %jit3A_30, %sign3A_42 : i32
    %sign3A_44 = arith.extui %sign3A_43 : i1 to i32
    %sign3A_45 = arith.subi %sign3A_41, %sign3A_44 : i32
    %ne3A_46 = arith.cmpi ne, %sign3A_38, %sign3A_45 : i32
    %rem3A_47 = arith.remsi %add3A_29, %jit3A_30 : i32
    %ne3A_48 = arith.constant 0 : i32
    %ne3A_49 = arith.cmpi ne, %rem3A_47, %ne3A_48 : i32
    %and3A_50 = arith.andi %ne3A_46, %ne3A_49 : i1
    %sub3A_51 = arith.constant 1 : i32
    %sub3A_52 = arith.subi %div3A_31, %sub3A_51 : i32
    %select_n3A_53 = arith.select %and3A_50, %sub3A_52, %div3A_31 : i32
    %rem3A_54 = arith.constant 16 : i32
    %rem3A_55 = arith.remsi %add3A_29, %rem3A_54 : i32
    %mul3A_56 = arith.constant 256 : i32
    %mul3A_57 = arith.muli %rem3A_55, %mul3A_56 : i32
    %dma_start3A_58 = tpu.memref_slice %arg2[%select_n3A_53, %mul3A_57] : memref<200x4096xi32, #tpu.memory_space<hbm>> -> memref<1x256xi32, #tpu.memory_space<hbm>>
    %dma_start3A_59 = tpu.memref_squeeze %dma_start3A_58 : memref<1x256xi32, #tpu.memory_space<hbm>> -> memref<256xi32, #tpu.memory_space<hbm>>
    %dma_start3A_60 = tpu.memref_slice %arg2[%select_n3A_53, %mul3A_57] : memref<200x4096xi32, #tpu.memory_space<hbm>> -> memref<1x256xi32, #tpu.memory_space<hbm>>
    %dma_start3A_61 = tpu.memref_squeeze %dma_start3A_60 : memref<1x256xi32, #tpu.memory_space<hbm>> -> memref<256xi32, #tpu.memory_space<hbm>>
    tpu.enqueue_dma source(%dma_start3A_61 : memref<256xi32, #tpu.memory_space<hbm>>) target(%arg6 : memref<256xi32, #tpu.memory_space<vmem>>) target_semaphore(%arg14 : memref<!tpu.dma_semaphore, #tpu.memory_space<semaphore_mem>>)
    %add3A_62 = arith.constant 2 : i32
    %add3A_63 = arith.addi %mul3A_2, %add3A_62 : i32
    %jit3A_64 = arith.constant 16 : i32
    %div3A_65 = arith.divsi %add3A_63, %jit3A_64 : i32
    %sign3A_66 = arith.constant 0 : i32
    %sign3A_67 = arith.cmpi sgt, %add3A_63, %sign3A_66 : i32
    %sign3A_68 = arith.extui %sign3A_67 : i1 to i32
    %sign3A_69 = arith.constant 0 : i32
    %sign3A_70 = arith.cmpi slt, %add3A_63, %sign3A_69 : i32
    %sign3A_71 = arith.extui %sign3A_70 : i1 to i32
    %sign3A_72 = arith.subi %sign3A_68, %sign3A_71 : i32
    %sign3A_73 = arith.constant 0 : i32
    %sign3A_74 = arith.cmpi sgt, %jit3A_64, %sign3A_73 : i32
    %sign3A_75 = arith.extui %sign3A_74 : i1 to i32
    %sign3A_76 = arith.constant 0 : i32
    %sign3A_77 = arith.cmpi slt, %jit3A_64, %sign3A_76 : i32
    %sign3A_78 = arith.extui %sign3A_77 : i1 to i32
    %sign3A_79 = arith.subi %sign3A_75, %sign3A_78 : i32
    %ne3A_80 = arith.cmpi ne, %sign3A_72, %sign3A_79 : i32
    %rem3A_81 = arith.remsi %add3A_63, %jit3A_64 : i32
    %ne3A_82 = arith.constant 0 : i32
    %ne3A_83 = arith.cmpi ne, %rem3A_81, %ne3A_82 : i32
    %and3A_84 = arith.andi %ne3A_80, %ne3A_83 : i1
    %sub3A_85 = arith.constant 1 : i32
    %sub3A_86 = arith.subi %div3A_65, %sub3A_85 : i32
    %select_n3A_87 = arith.select %and3A_84, %sub3A_86, %div3A_65 : i32
    %rem3A_88 = arith.constant 16 : i32
    %rem3A_89 = arith.remsi %add3A_63, %rem3A_88 : i32
    %mul3A_90 = arith.constant 256 : i32
    %mul3A_91 = arith.muli %rem3A_89, %mul3A_90 : i32
    %dma_start3A_92 = tpu.memref_slice %arg2[%select_n3A_87, %mul3A_91] : memref<200x4096xi32, #tpu.memory_space<hbm>> -> memref<1x256xi32, #tpu.memory_space<hbm>>
    %dma_start3A_93 = tpu.memref_squeeze %dma_start3A_92 : memref<1x256xi32, #tpu.memory_space<hbm>> -> memref<256xi32, #tpu.memory_space<hbm>>
    %dma_start3A_94 = tpu.memref_slice %arg2[%select_n3A_87, %mul3A_91] : memref<200x4096xi32, #tpu.memory_space<hbm>> -> memref<1x256xi32, #tpu.memory_space<hbm>>
    %dma_start3A_95 = tpu.memref_squeeze %dma_start3A_94 : memref<1x256xi32, #tpu.memory_space<hbm>> -> memref<256xi32, #tpu.memory_space<hbm>>
    tpu.enqueue_dma source(%dma_start3A_95 : memref<256xi32, #tpu.memory_space<hbm>>) target(%arg7 : memref<256xi32, #tpu.memory_space<vmem>>) target_semaphore(%arg15 : memref<!tpu.dma_semaphore, #tpu.memory_space<semaphore_mem>>)
    %add3A_96 = arith.constant 3 : i32
    %add3A_97 = arith.addi %mul3A_2, %add3A_96 : i32
    %jit3A_98 = arith.constant 16 : i32
    %div3A_99 = arith.divsi %add3A_97, %jit3A_98 : i32
    %sign3A_100 = arith.constant 0 : i32
    %sign3A_101 = arith.cmpi sgt, %add3A_97, %sign3A_100 : i32
    %sign3A_102 = arith.extui %sign3A_101 : i1 to i32
    %sign3A_103 = arith.constant 0 : i32
    %sign3A_104 = arith.cmpi slt, %add3A_97, %sign3A_103 : i32
    %sign3A_105 = arith.extui %sign3A_104 : i1 to i32
    %sign3A_106 = arith.subi %sign3A_102, %sign3A_105 : i32
    %sign3A_107 = arith.constant 0 : i32
    %sign3A_108 = arith.cmpi sgt, %jit3A_98, %sign3A_107 : i32
    %sign3A_109 = arith.extui %sign3A_108 : i1 to i32
    %sign3A_110 = arith.constant 0 : i32
    %sign3A_111 = arith.cmpi slt, %jit3A_98, %sign3A_110 : i32
    %sign3A_112 = arith.extui %sign3A_111 : i1 to i32
    %sign3A_113 = arith.subi %sign3A_109, %sign3A_112 : i32
    %ne3A_114 = arith.cmpi ne, %sign3A_106, %sign3A_113 : i32
    %rem3A_115 = arith.remsi %add3A_97, %jit3A_98 : i32
    %ne3A_116 = arith.constant 0 : i32
    %ne3A_117 = arith.cmpi ne, %rem3A_115, %ne3A_116 : i32
    %and3A_118 = arith.andi %ne3A_114, %ne3A_117 : i1
    %sub3A_119 = arith.constant 1 : i32
    %sub3A_120 = arith.subi %div3A_99, %sub3A_119 : i32
    %select_n3A_121 = arith.select %and3A_118, %sub3A_120, %div3A_99 : i32
    %rem3A_122 = arith.constant 16 : i32
    %rem3A_123 = arith.remsi %add3A_97, %rem3A_122 : i32
    %mul3A_124 = arith.constant 256 : i32
    %mul3A_125 = arith.muli %rem3A_123, %mul3A_124 : i32
    %dma_start3A_126 = tpu.memref_slice %arg2[%select_n3A_121, %mul3A_125] : memref<200x4096xi32, #tpu.memory_space<hbm>> -> memref<1x256xi32, #tpu.memory_space<hbm>>
    %dma_start3A_127 = tpu.memref_squeeze %dma_start3A_126 : memref<1x256xi32, #tpu.memory_space<hbm>> -> memref<256xi32, #tpu.memory_space<hbm>>
    %dma_start3A_128 = tpu.memref_slice %arg2[%select_n3A_121, %mul3A_125] : memref<200x4096xi32, #tpu.memory_space<hbm>> -> memref<1x256xi32, #tpu.memory_space<hbm>>
    %dma_start3A_129 = tpu.memref_squeeze %dma_start3A_128 : memref<1x256xi32, #tpu.memory_space<hbm>> -> memref<256xi32, #tpu.memory_space<hbm>>
    tpu.enqueue_dma source(%dma_start3A_129 : memref<256xi32, #tpu.memory_space<hbm>>) target(%arg8 : memref<256xi32, #tpu.memory_space<vmem>>) target_semaphore(%arg16 : memref<!tpu.dma_semaphore, #tpu.memory_space<semaphore_mem>>)
    %add3A_130 = arith.constant 0 : i32
    %add3A_131 = arith.addi %mul3A_2, %add3A_130 : i32
    %jit3A_132 = arith.constant 16 : i32
    %div3A_133 = arith.divsi %add3A_131, %jit3A_132 : i32
    %sign3A_134 = arith.constant 0 : i32
    %sign3A_135 = arith.cmpi sgt, %add3A_131, %sign3A_134 : i32
    %sign3A_136 = arith.extui %sign3A_135 : i1 to i32
    %sign3A_137 = arith.constant 0 : i32
    %sign3A_138 = arith.cmpi slt, %add3A_131, %sign3A_137 : i32
    %sign3A_139 = arith.extui %sign3A_138 : i1 to i32
    %sign3A_140 = arith.subi %sign3A_136, %sign3A_139 : i32
    %sign3A_141 = arith.constant 0 : i32
    %sign3A_142 = arith.cmpi sgt, %jit3A_132, %sign3A_141 : i32
    %sign3A_143 = arith.extui %sign3A_142 : i1 to i32
    %sign3A_144 = arith.constant 0 : i32
    %sign3A_145 = arith.cmpi slt, %jit3A_132, %sign3A_144 : i32
    %sign3A_146 = arith.extui %sign3A_145 : i1 to i32
    %sign3A_147 = arith.subi %sign3A_143, %sign3A_146 : i32
    %ne3A_148 = arith.cmpi ne, %sign3A_140, %sign3A_147 : i32
    %rem3A_149 = arith.remsi %add3A_131, %jit3A_132 : i32
    %ne3A_150 = arith.constant 0 : i32
    %ne3A_151 = arith.cmpi ne, %rem3A_149, %ne3A_150 : i32
    %and3A_152 = arith.andi %ne3A_148, %ne3A_151 : i1
    %sub3A_153 = arith.constant 1 : i32
    %sub3A_154 = arith.subi %div3A_133, %sub3A_153 : i32
    %select_n3A_155 = arith.select %and3A_152, %sub3A_154, %div3A_133 : i32
    %rem3A_156 = arith.constant 16 : i32
    %rem3A_157 = arith.remsi %add3A_131, %rem3A_156 : i32
    %mul3A_158 = arith.constant 256 : i32
    %mul3A_159 = arith.muli %rem3A_157, %mul3A_158 : i32
    %dma_wait3A = tpu.memref_slice %arg2[%select_n3A_155, %mul3A_159] : memref<200x4096xi32, #tpu.memory_space<hbm>> -> memref<1x256xi32, #tpu.memory_space<hbm>>
    %dma_wait3A_160 = tpu.memref_squeeze %dma_wait3A : memref<1x256xi32, #tpu.memory_space<hbm>> -> memref<256xi32, #tpu.memory_space<hbm>>
    %dma_wait3A_161 = tpu.memref_slice %arg2[%select_n3A_155, %mul3A_159] : memref<200x4096xi32, #tpu.memory_space<hbm>> -> memref<1x256xi32, #tpu.memory_space<hbm>>
    %dma_wait3A_162 = tpu.memref_squeeze %dma_wait3A_161 : memref<1x256xi32, #tpu.memory_space<hbm>> -> memref<256xi32, #tpu.memory_space<hbm>>
    tpu.wait_dma2 semaphore(%arg13 : memref<!tpu.dma_semaphore, #tpu.memory_space<semaphore_mem>>) src(%dma_wait3A_162 : memref<256xi32, #tpu.memory_space<hbm>>) dst(%arg5 : memref<256xi32, #tpu.memory_space<vmem>>)
    %dma_start3A_163 = arith.constant 0 : i32
    %dma_start3A_164 = arith.constant 0 : i32
    %dma_start3A_165 = tpu.memref_slice %arg3[%dma_start3A_163, %dma_start3A_164] : memref<1000000x64xf32, #tpu.memory_space<hbm>> -> memref<1000000x64xf32, #tpu.memory_space<hbm>>
    tpu.enqueue_indirect_dma source(%dma_start3A_165 : memref<1000000x64xf32, #tpu.memory_space<hbm>>) target(%arg9 : memref<256x64xf32, #tpu.memory_space<vmem>>) offsets(%arg5 : memref<256xi32, #tpu.memory_space<vmem>>) semaphore(%arg17 : memref<!tpu.dma_semaphore, #tpu.memory_space<semaphore_mem>>)
    %add3A_166 = arith.constant 1 : i32
    %add3A_167 = arith.addi %mul3A_2, %add3A_166 : i32
    %jit3A_168 = arith.constant 16 : i32
    %div3A_169 = arith.divsi %add3A_167, %jit3A_168 : i32
    %sign3A_170 = arith.constant 0 : i32
    %sign3A_171 = arith.cmpi sgt, %add3A_167, %sign3A_170 : i32
    %sign3A_172 = arith.extui %sign3A_171 : i1 to i32
    %sign3A_173 = arith.constant 0 : i32
    %sign3A_174 = arith.cmpi slt, %add3A_167, %sign3A_173 : i32
    %sign3A_175 = arith.extui %sign3A_174 : i1 to i32
    %sign3A_176 = arith.subi %sign3A_172, %sign3A_175 : i32
    %sign3A_177 = arith.constant 0 : i32
    %sign3A_178 = arith.cmpi sgt, %jit3A_168, %sign3A_177 : i32
    %sign3A_179 = arith.extui %sign3A_178 : i1 to i32
    %sign3A_180 = arith.constant 0 : i32
    %sign3A_181 = arith.cmpi slt, %jit3A_168, %sign3A_180 : i32
    %sign3A_182 = arith.extui %sign3A_181 : i1 to i32
    %sign3A_183 = arith.subi %sign3A_179, %sign3A_182 : i32
    %ne3A_184 = arith.cmpi ne, %sign3A_176, %sign3A_183 : i32
    %rem3A_185 = arith.remsi %add3A_167, %jit3A_168 : i32
    %ne3A_186 = arith.constant 0 : i32
    %ne3A_187 = arith.cmpi ne, %rem3A_185, %ne3A_186 : i32
    %and3A_188 = arith.andi %ne3A_184, %ne3A_187 : i1
    %sub3A_189 = arith.constant 1 : i32
    %sub3A_190 = arith.subi %div3A_169, %sub3A_189 : i32
    %select_n3A_191 = arith.select %and3A_188, %sub3A_190, %div3A_169 : i32
    %rem3A_192 = arith.constant 16 : i32
    %rem3A_193 = arith.remsi %add3A_167, %rem3A_192 : i32
    %mul3A_194 = arith.constant 256 : i32
    %mul3A_195 = arith.muli %rem3A_193, %mul3A_194 : i32
    %dma_wait3A_196 = tpu.memref_slice %arg2[%select_n3A_191, %mul3A_195] : memref<200x4096xi32, #tpu.memory_space<hbm>> -> memref<1x256xi32, #tpu.memory_space<hbm>>
    %dma_wait3A_197 = tpu.memref_squeeze %dma_wait3A_196 : memref<1x256xi32, #tpu.memory_space<hbm>> -> memref<256xi32, #tpu.memory_space<hbm>>
    %dma_wait3A_198 = tpu.memref_slice %arg2[%select_n3A_191, %mul3A_195] : memref<200x4096xi32, #tpu.memory_space<hbm>> -> memref<1x256xi32, #tpu.memory_space<hbm>>
    %dma_wait3A_199 = tpu.memref_squeeze %dma_wait3A_198 : memref<1x256xi32, #tpu.memory_space<hbm>> -> memref<256xi32, #tpu.memory_space<hbm>>
    tpu.wait_dma2 semaphore(%arg14 : memref<!tpu.dma_semaphore, #tpu.memory_space<semaphore_mem>>) src(%dma_wait3A_199 : memref<256xi32, #tpu.memory_space<hbm>>) dst(%arg6 : memref<256xi32, #tpu.memory_space<vmem>>)
    %dma_start3A_200 = arith.constant 0 : i32
    %dma_start3A_201 = arith.constant 0 : i32
    %dma_start3A_202 = tpu.memref_slice %arg3[%dma_start3A_200, %dma_start3A_201] : memref<1000000x64xf32, #tpu.memory_space<hbm>> -> memref<1000000x64xf32, #tpu.memory_space<hbm>>
    tpu.enqueue_indirect_dma source(%dma_start3A_202 : memref<1000000x64xf32, #tpu.memory_space<hbm>>) target(%arg10 : memref<256x64xf32, #tpu.memory_space<vmem>>) offsets(%arg6 : memref<256xi32, #tpu.memory_space<vmem>>) semaphore(%arg18 : memref<!tpu.dma_semaphore, #tpu.memory_space<semaphore_mem>>)
    %scan3A = arith.constant 0 : i32
    %scan3A_203 = arith.constant 0 : i32
    %scan3A_204 = arith.constant 25 : i32
    %scan3A_205 = arith.addi %scan3A_203, %scan3A_204 : i32
    %scan3A_206 = arith.constant 1 : i32
    scf.for %scan3A_364 = %scan3A_203 to %scan3A_205 step %scan3A_206  : i32 {
      %mul3A_365 = arith.constant 4 : i32
      %mul3A_366 = arith.muli %mul3A_365, %scan3A_364 : i32
      %add3A_367 = arith.addi %mul3A_2, %mul3A_366 : i32
      %add3A_368 = arith.constant 0 : i32
      %add3A_369 = arith.addi %add3A_367, %add3A_368 : i32
      %dma_wait3A_370 = arith.constant 0 : i32
      %dma_wait3A_371 = arith.constant 0 : i32
      %dma_wait3A_372 = tpu.memref_slice %arg3[%dma_wait3A_370, %dma_wait3A_371] : memref<1000000x64xf32, #tpu.memory_space<hbm>> -> memref<1000000x64xf32, #tpu.memory_space<hbm>>
      tpu.wait_indirect_dma semaphore(%arg17 : memref<!tpu.dma_semaphore, #tpu.memory_space<semaphore_mem>>) src(%dma_wait3A_372 : memref<1000000x64xf32, #tpu.memory_space<hbm>>) dst(%arg9 : memref<256x64xf32, #tpu.memory_space<vmem>>)
      %jit3A_373 = arith.constant 16 : i32
      %div3A_374 = arith.divsi %add3A_369, %jit3A_373 : i32
      %sign3A_375 = arith.constant 0 : i32
      %sign3A_376 = arith.cmpi sgt, %add3A_369, %sign3A_375 : i32
      %sign3A_377 = arith.extui %sign3A_376 : i1 to i32
      %sign3A_378 = arith.constant 0 : i32
      %sign3A_379 = arith.cmpi slt, %add3A_369, %sign3A_378 : i32
      %sign3A_380 = arith.extui %sign3A_379 : i1 to i32
      %sign3A_381 = arith.subi %sign3A_377, %sign3A_380 : i32
      %sign3A_382 = arith.constant 0 : i32
      %sign3A_383 = arith.cmpi sgt, %jit3A_373, %sign3A_382 : i32
      %sign3A_384 = arith.extui %sign3A_383 : i1 to i32
      %sign3A_385 = arith.constant 0 : i32
      %sign3A_386 = arith.cmpi slt, %jit3A_373, %sign3A_385 : i32
      %sign3A_387 = arith.extui %sign3A_386 : i1 to i32
      %sign3A_388 = arith.subi %sign3A_384, %sign3A_387 : i32
      %ne3A_389 = arith.cmpi ne, %sign3A_381, %sign3A_388 : i32
      %rem3A_390 = arith.remsi %add3A_369, %jit3A_373 : i32
      %ne3A_391 = arith.constant 0 : i32
      %ne3A_392 = arith.cmpi ne, %rem3A_390, %ne3A_391 : i32
      %and3A_393 = arith.andi %ne3A_389, %ne3A_392 : i1
      %sub3A_394 = arith.constant 1 : i32
      %sub3A_395 = arith.subi %div3A_374, %sub3A_394 : i32
      %select_n3A_396 = arith.select %and3A_393, %sub3A_395, %div3A_374 : i32
      %rem3A_397 = arith.constant 16 : i32
      %rem3A_398 = arith.remsi %add3A_369, %rem3A_397 : i32
      %mul3A_399 = arith.constant 4096 : i32
      %mul3A_400 = arith.muli %select_n3A_396, %mul3A_399 : i32
      %mul3A_401 = arith.constant 256 : i32
      %mul3A_402 = arith.muli %rem3A_398, %mul3A_401 : i32
      %add3A_403 = arith.addi %mul3A_400, %mul3A_402 : i32
      %dma_start3A_404 = arith.constant 0 : i32
      %dma_start3A_405 = tpu.memref_slice %arg4[%add3A_403, %dma_start3A_404] : memref<819200x64xf32, #tpu.memory_space<hbm>> -> memref<256x64xf32, #tpu.memory_space<hbm>>
      %dma_start3A_406 = arith.constant 0 : i32
      %dma_start3A_407 = tpu.memref_slice %arg4[%add3A_403, %dma_start3A_406] : memref<819200x64xf32, #tpu.memory_space<hbm>> -> memref<256x64xf32, #tpu.memory_space<hbm>>
      tpu.enqueue_dma source(%arg9 : memref<256x64xf32, #tpu.memory_space<vmem>>) target(%dma_start3A_407 : memref<256x64xf32, #tpu.memory_space<hbm>>) target_semaphore(%arg21 : memref<!tpu.dma_semaphore, #tpu.memory_space<semaphore_mem>>)
      %mul3A_408 = arith.constant 4 : i32
      %mul3A_409 = arith.muli %mul3A_408, %scan3A_364 : i32
      %add3A_410 = arith.constant 0 : i32
      %add3A_411 = arith.addi %mul3A_409, %add3A_410 : i32
      %add3A_412 = arith.constant 4 : i32
      %add3A_413 = arith.addi %add3A_411, %add3A_412 : i32
      %lt3A = arith.constant 100 : i32
      %lt3A_414 = arith.cmpi slt, %add3A_413, %lt3A : i32
      %convert_element_type3A = arith.extui %lt3A_414 : i1 to i32
      %cond3A = arith.constant 0 : i32
      %cond3A_415 = arith.cmpi ne, %convert_element_type3A, %cond3A : i32
      scf.if %cond3A_415 {
        %add3A_622 = arith.constant 4 : i32
        %add3A_623 = arith.addi %add3A_369, %add3A_622 : i32
        %jit3A_624 = arith.constant 16 : i32
        %div3A_625 = arith.divsi %add3A_623, %jit3A_624 : i32
        %sign3A_626 = arith.constant 0 : i32
        %sign3A_627 = arith.cmpi sgt, %add3A_623, %sign3A_626 : i32
        %sign3A_628 = arith.extui %sign3A_627 : i1 to i32
        %sign3A_629 = arith.constant 0 : i32
        %sign3A_630 = arith.cmpi slt, %add3A_623, %sign3A_629 : i32
        %sign3A_631 = arith.extui %sign3A_630 : i1 to i32
        %sign3A_632 = arith.subi %sign3A_628, %sign3A_631 : i32
        %sign3A_633 = arith.constant 0 : i32
        %sign3A_634 = arith.cmpi sgt, %jit3A_624, %sign3A_633 : i32
        %sign3A_635 = arith.extui %sign3A_634 : i1 to i32
        %sign3A_636 = arith.constant 0 : i32
        %sign3A_637 = arith.cmpi slt, %jit3A_624, %sign3A_636 : i32
        %sign3A_638 = arith.extui %sign3A_637 : i1 to i32
        %sign3A_639 = arith.subi %sign3A_635, %sign3A_638 : i32
        %ne3A_640 = arith.cmpi ne, %sign3A_632, %sign3A_639 : i32
        %rem3A_641 = arith.remsi %add3A_623, %jit3A_624 : i32
        %ne3A_642 = arith.constant 0 : i32
        %ne3A_643 = arith.cmpi ne, %rem3A_641, %ne3A_642 : i32
        %and3A_644 = arith.andi %ne3A_640, %ne3A_643 : i1
        %sub3A_645 = arith.constant 1 : i32
        %sub3A_646 = arith.subi %div3A_625, %sub3A_645 : i32
        %select_n3A_647 = arith.select %and3A_644, %sub3A_646, %div3A_625 : i32
        %rem3A_648 = arith.constant 16 : i32
        %rem3A_649 = arith.remsi %add3A_623, %rem3A_648 : i32
        %mul3A_650 = arith.constant 256 : i32
        %mul3A_651 = arith.muli %rem3A_649, %mul3A_650 : i32
        %dma_start3A_652 = tpu.memref_slice %arg2[%select_n3A_647, %mul3A_651] : memref<200x4096xi32, #tpu.memory_space<hbm>> -> memref<1x256xi32, #tpu.memory_space<hbm>>
        %dma_start3A_653 = tpu.memref_squeeze %dma_start3A_652 : memref<1x256xi32, #tpu.memory_space<hbm>> -> memref<256xi32, #tpu.memory_space<hbm>>
        %dma_start3A_654 = tpu.memref_slice %arg2[%select_n3A_647, %mul3A_651] : memref<200x4096xi32, #tpu.memory_space<hbm>> -> memref<1x256xi32, #tpu.memory_space<hbm>>
        %dma_start3A_655 = tpu.memref_squeeze %dma_start3A_654 : memref<1x256xi32, #tpu.memory_space<hbm>> -> memref<256xi32, #tpu.memory_space<hbm>>
        tpu.enqueue_dma source(%dma_start3A_655 : memref<256xi32, #tpu.memory_space<hbm>>) target(%arg5 : memref<256xi32, #tpu.memory_space<vmem>>) target_semaphore(%arg13 : memref<!tpu.dma_semaphore, #tpu.memory_space<semaphore_mem>>)
      } else {
      }
      %mul3A_416 = arith.constant 4 : i32
      %mul3A_417 = arith.muli %mul3A_416, %scan3A_364 : i32
      %add3A_418 = arith.constant 0 : i32
      %add3A_419 = arith.addi %mul3A_417, %add3A_418 : i32
      %add3A_420 = arith.constant 2 : i32
      %add3A_421 = arith.addi %add3A_419, %add3A_420 : i32
      %lt3A_422 = arith.constant 100 : i32
      %lt3A_423 = arith.cmpi slt, %add3A_421, %lt3A_422 : i32
      %convert_element_type3A_424 = arith.extui %lt3A_423 : i1 to i32
      %cond3A_425 = arith.constant 0 : i32
      %cond3A_426 = arith.cmpi ne, %convert_element_type3A_424, %cond3A_425 : i32
      scf.if %cond3A_426 {
        %mul3A_622 = arith.constant 4 : i32
        %mul3A_623 = arith.muli %mul3A_622, %scan3A_364 : i32
        %add3A_624 = arith.constant 0 : i32
        %add3A_625 = arith.addi %mul3A_623, %add3A_624 : i32
        %ge3A = arith.constant 2 : i32
        %ge3A_626 = arith.cmpi sge, %add3A_625, %ge3A : i32
        %convert_element_type3A_627 = arith.extui %ge3A_626 : i1 to i32
        %cond3A_628 = arith.constant 0 : i32
        %cond3A_629 = arith.cmpi ne, %convert_element_type3A_627, %cond3A_628 : i32
        scf.if %cond3A_629 {
          %sub3A_667 = arith.constant 2 : i32
          %sub3A_668 = arith.subi %add3A_369, %sub3A_667 : i32
          %jit3A_669 = arith.constant 16 : i32
          %div3A_670 = arith.divsi %sub3A_668, %jit3A_669 : i32
          %sign3A_671 = arith.constant 0 : i32
          %sign3A_672 = arith.cmpi sgt, %sub3A_668, %sign3A_671 : i32
          %sign3A_673 = arith.extui %sign3A_672 : i1 to i32
          %sign3A_674 = arith.constant 0 : i32
          %sign3A_675 = arith.cmpi slt, %sub3A_668, %sign3A_674 : i32
          %sign3A_676 = arith.extui %sign3A_675 : i1 to i32
          %sign3A_677 = arith.subi %sign3A_673, %sign3A_676 : i32
          %sign3A_678 = arith.constant 0 : i32
          %sign3A_679 = arith.cmpi sgt, %jit3A_669, %sign3A_678 : i32
          %sign3A_680 = arith.extui %sign3A_679 : i1 to i32
          %sign3A_681 = arith.constant 0 : i32
          %sign3A_682 = arith.cmpi slt, %jit3A_669, %sign3A_681 : i32
          %sign3A_683 = arith.extui %sign3A_682 : i1 to i32
          %sign3A_684 = arith.subi %sign3A_680, %sign3A_683 : i32
          %ne3A_685 = arith.cmpi ne, %sign3A_677, %sign3A_684 : i32
          %rem3A_686 = arith.remsi %sub3A_668, %jit3A_669 : i32
          %ne3A_687 = arith.constant 0 : i32
          %ne3A_688 = arith.cmpi ne, %rem3A_686, %ne3A_687 : i32
          %and3A_689 = arith.andi %ne3A_685, %ne3A_688 : i1
          %sub3A_690 = arith.constant 1 : i32
          %sub3A_691 = arith.subi %div3A_670, %sub3A_690 : i32
          %select_n3A_692 = arith.select %and3A_689, %sub3A_691, %div3A_670 : i32
          %rem3A_693 = arith.constant 16 : i32
          %rem3A_694 = arith.remsi %sub3A_668, %rem3A_693 : i32
          %mul3A_695 = arith.constant 4096 : i32
          %mul3A_696 = arith.muli %select_n3A_692, %mul3A_695 : i32
          %mul3A_697 = arith.constant 256 : i32
          %mul3A_698 = arith.muli %rem3A_694, %mul3A_697 : i32
          %add3A_699 = arith.addi %mul3A_696, %mul3A_698 : i32
          %dma_wait3A_700 = arith.constant 0 : i32
          %dma_wait3A_701 = tpu.memref_slice %arg4[%add3A_699, %dma_wait3A_700] : memref<819200x64xf32, #tpu.memory_space<hbm>> -> memref<256x64xf32, #tpu.memory_space<hbm>>
          %dma_wait3A_702 = arith.constant 0 : i32
          %dma_wait3A_703 = tpu.memref_slice %arg4[%add3A_699, %dma_wait3A_702] : memref<819200x64xf32, #tpu.memory_space<hbm>> -> memref<256x64xf32, #tpu.memory_space<hbm>>
          tpu.wait_dma2 semaphore(%arg23 : memref<!tpu.dma_semaphore, #tpu.memory_space<semaphore_mem>>) src(%arg11 : memref<256x64xf32, #tpu.memory_space<vmem>>) dst(%dma_wait3A_703 : memref<256x64xf32, #tpu.memory_space<hbm>>)
        } else {
        }
        %add3A_630 = arith.constant 2 : i32
        %add3A_631 = arith.addi %add3A_369, %add3A_630 : i32
        %jit3A_632 = arith.constant 16 : i32
        %div3A_633 = arith.divsi %add3A_631, %jit3A_632 : i32
        %sign3A_634 = arith.constant 0 : i32
        %sign3A_635 = arith.cmpi sgt, %add3A_631, %sign3A_634 : i32
        %sign3A_636 = arith.extui %sign3A_635 : i1 to i32
        %sign3A_637 = arith.constant 0 : i32
        %sign3A_638 = arith.cmpi slt, %add3A_631, %sign3A_637 : i32
        %sign3A_639 = arith.extui %sign3A_638 : i1 to i32
        %sign3A_640 = arith.subi %sign3A_636, %sign3A_639 : i32
        %sign3A_641 = arith.constant 0 : i32
        %sign3A_642 = arith.cmpi sgt, %jit3A_632, %sign3A_641 : i32
        %sign3A_643 = arith.extui %sign3A_642 : i1 to i32
        %sign3A_644 = arith.constant 0 : i32
        %sign3A_645 = arith.cmpi slt, %jit3A_632, %sign3A_644 : i32
        %sign3A_646 = arith.extui %sign3A_645 : i1 to i32
        %sign3A_647 = arith.subi %sign3A_643, %sign3A_646 : i32
        %ne3A_648 = arith.cmpi ne, %sign3A_640, %sign3A_647 : i32
        %rem3A_649 = arith.remsi %add3A_631, %jit3A_632 : i32
        %ne3A_650 = arith.constant 0 : i32
        %ne3A_651 = arith.cmpi ne, %rem3A_649, %ne3A_650 : i32
        %and3A_652 = arith.andi %ne3A_648, %ne3A_651 : i1
        %sub3A_653 = arith.constant 1 : i32
        %sub3A_654 = arith.subi %div3A_633, %sub3A_653 : i32
        %select_n3A_655 = arith.select %and3A_652, %sub3A_654, %div3A_633 : i32
        %rem3A_656 = arith.constant 16 : i32
        %rem3A_657 = arith.remsi %add3A_631, %rem3A_656 : i32
        %mul3A_658 = arith.constant 256 : i32
        %mul3A_659 = arith.muli %rem3A_657, %mul3A_658 : i32
        %dma_wait3A_660 = tpu.memref_slice %arg2[%select_n3A_655, %mul3A_659] : memref<200x4096xi32, #tpu.memory_space<hbm>> -> memref<1x256xi32, #tpu.memory_space<hbm>>
        %dma_wait3A_661 = tpu.memref_squeeze %dma_wait3A_660 : memref<1x256xi32, #tpu.memory_space<hbm>> -> memref<256xi32, #tpu.memory_space<hbm>>
        %dma_wait3A_662 = tpu.memref_slice %arg2[%select_n3A_655, %mul3A_659] : memref<200x4096xi32, #tpu.memory_space<hbm>> -> memref<1x256xi32, #tpu.memory_space<hbm>>
        %dma_wait3A_663 = tpu.memref_squeeze %dma_wait3A_662 : memref<1x256xi32, #tpu.memory_space<hbm>> -> memref<256xi32, #tpu.memory_space<hbm>>
        tpu.wait_dma2 semaphore(%arg15 : memref<!tpu.dma_semaphore, #tpu.memory_space<semaphore_mem>>) src(%dma_wait3A_663 : memref<256xi32, #tpu.memory_space<hbm>>) dst(%arg7 : memref<256xi32, #tpu.memory_space<vmem>>)
        %dma_start3A_664 = arith.constant 0 : i32
        %dma_start3A_665 = arith.constant 0 : i32
        %dma_start3A_666 = tpu.memref_slice %arg3[%dma_start3A_664, %dma_start3A_665] : memref<1000000x64xf32, #tpu.memory_space<hbm>> -> memref<1000000x64xf32, #tpu.memory_space<hbm>>
        tpu.enqueue_indirect_dma source(%dma_start3A_666 : memref<1000000x64xf32, #tpu.memory_space<hbm>>) target(%arg11 : memref<256x64xf32, #tpu.memory_space<vmem>>) offsets(%arg7 : memref<256xi32, #tpu.memory_space<vmem>>) semaphore(%arg19 : memref<!tpu.dma_semaphore, #tpu.memory_space<semaphore_mem>>)
      } else {
      }
      %mul3A_427 = arith.constant 4 : i32
      %mul3A_428 = arith.muli %mul3A_427, %scan3A_364 : i32
      %add3A_429 = arith.addi %mul3A_2, %mul3A_428 : i32
      %add3A_430 = arith.constant 1 : i32
      %add3A_431 = arith.addi %add3A_429, %add3A_430 : i32
      %dma_wait3A_432 = arith.constant 0 : i32
      %dma_wait3A_433 = arith.constant 0 : i32
      %dma_wait3A_434 = tpu.memref_slice %arg3[%dma_wait3A_432, %dma_wait3A_433] : memref<1000000x64xf32, #tpu.memory_space<hbm>> -> memref<1000000x64xf32, #tpu.memory_space<hbm>>
      tpu.wait_indirect_dma semaphore(%arg18 : memref<!tpu.dma_semaphore, #tpu.memory_space<semaphore_mem>>) src(%dma_wait3A_434 : memref<1000000x64xf32, #tpu.memory_space<hbm>>) dst(%arg10 : memref<256x64xf32, #tpu.memory_space<vmem>>)
      %jit3A_435 = arith.constant 16 : i32
      %div3A_436 = arith.divsi %add3A_431, %jit3A_435 : i32
      %sign3A_437 = arith.constant 0 : i32
      %sign3A_438 = arith.cmpi sgt, %add3A_431, %sign3A_437 : i32
      %sign3A_439 = arith.extui %sign3A_438 : i1 to i32
      %sign3A_440 = arith.constant 0 : i32
      %sign3A_441 = arith.cmpi slt, %add3A_431, %sign3A_440 : i32
      %sign3A_442 = arith.extui %sign3A_441 : i1 to i32
      %sign3A_443 = arith.subi %sign3A_439, %sign3A_442 : i32
      %sign3A_444 = arith.constant 0 : i32
      %sign3A_445 = arith.cmpi sgt, %jit3A_435, %sign3A_444 : i32
      %sign3A_446 = arith.extui %sign3A_445 : i1 to i32
      %sign3A_447 = arith.constant 0 : i32
      %sign3A_448 = arith.cmpi slt, %jit3A_435, %sign3A_447 : i32
      %sign3A_449 = arith.extui %sign3A_448 : i1 to i32
      %sign3A_450 = arith.subi %sign3A_446, %sign3A_449 : i32
      %ne3A_451 = arith.cmpi ne, %sign3A_443, %sign3A_450 : i32
      %rem3A_452 = arith.remsi %add3A_431, %jit3A_435 : i32
      %ne3A_453 = arith.constant 0 : i32
      %ne3A_454 = arith.cmpi ne, %rem3A_452, %ne3A_453 : i32
      %and3A_455 = arith.andi %ne3A_451, %ne3A_454 : i1
      %sub3A_456 = arith.constant 1 : i32
      %sub3A_457 = arith.subi %div3A_436, %sub3A_456 : i32
      %select_n3A_458 = arith.select %and3A_455, %sub3A_457, %div3A_436 : i32
      %rem3A_459 = arith.constant 16 : i32
      %rem3A_460 = arith.remsi %add3A_431, %rem3A_459 : i32
      %mul3A_461 = arith.constant 4096 : i32
      %mul3A_462 = arith.muli %select_n3A_458, %mul3A_461 : i32
      %mul3A_463 = arith.constant 256 : i32
      %mul3A_464 = arith.muli %rem3A_460, %mul3A_463 : i32
      %add3A_465 = arith.addi %mul3A_462, %mul3A_464 : i32
      %dma_start3A_466 = arith.constant 0 : i32
      %dma_start3A_467 = tpu.memref_slice %arg4[%add3A_465, %dma_start3A_466] : memref<819200x64xf32, #tpu.memory_space<hbm>> -> memref<256x64xf32, #tpu.memory_space<hbm>>
      %dma_start3A_468 = arith.constant 0 : i32
      %dma_start3A_469 = tpu.memref_slice %arg4[%add3A_465, %dma_start3A_468] : memref<819200x64xf32, #tpu.memory_space<hbm>> -> memref<256x64xf32, #tpu.memory_space<hbm>>
      tpu.enqueue_dma source(%arg10 : memref<256x64xf32, #tpu.memory_space<vmem>>) target(%dma_start3A_469 : memref<256x64xf32, #tpu.memory_space<hbm>>) target_semaphore(%arg22 : memref<!tpu.dma_semaphore, #tpu.memory_space<semaphore_mem>>)
      %mul3A_470 = arith.constant 4 : i32
      %mul3A_471 = arith.muli %mul3A_470, %scan3A_364 : i32
      %add3A_472 = arith.constant 1 : i32
      %add3A_473 = arith.addi %mul3A_471, %add3A_472 : i32
      %add3A_474 = arith.constant 4 : i32
      %add3A_475 = arith.addi %add3A_473, %add3A_474 : i32
      %lt3A_476 = arith.constant 100 : i32
      %lt3A_477 = arith.cmpi slt, %add3A_475, %lt3A_476 : i32
      %convert_element_type3A_478 = arith.extui %lt3A_477 : i1 to i32
      %cond3A_479 = arith.constant 0 : i32
      %cond3A_480 = arith.cmpi ne, %convert_element_type3A_478, %cond3A_479 : i32
      scf.if %cond3A_480 {
        %add3A_622 = arith.constant 4 : i32
        %add3A_623 = arith.addi %add3A_431, %add3A_622 : i32
        %jit3A_624 = arith.constant 16 : i32
        %div3A_625 = arith.divsi %add3A_623, %jit3A_624 : i32
        %sign3A_626 = arith.constant 0 : i32
        %sign3A_627 = arith.cmpi sgt, %add3A_623, %sign3A_626 : i32
        %sign3A_628 = arith.extui %sign3A_627 : i1 to i32
        %sign3A_629 = arith.constant 0 : i32
        %sign3A_630 = arith.cmpi slt, %add3A_623, %sign3A_629 : i32
        %sign3A_631 = arith.extui %sign3A_630 : i1 to i32
        %sign3A_632 = arith.subi %sign3A_628, %sign3A_631 : i32
        %sign3A_633 = arith.constant 0 : i32
        %sign3A_634 = arith.cmpi sgt, %jit3A_624, %sign3A_633 : i32
        %sign3A_635 = arith.extui %sign3A_634 : i1 to i32
        %sign3A_636 = arith.constant 0 : i32
        %sign3A_637 = arith.cmpi slt, %jit3A_624, %sign3A_636 : i32
        %sign3A_638 = arith.extui %sign3A_637 : i1 to i32
        %sign3A_639 = arith.subi %sign3A_635, %sign3A_638 : i32
        %ne3A_640 = arith.cmpi ne, %sign3A_632, %sign3A_639 : i32
        %rem3A_641 = arith.remsi %add3A_623, %jit3A_624 : i32
        %ne3A_642 = arith.constant 0 : i32
        %ne3A_643 = arith.cmpi ne, %rem3A_641, %ne3A_642 : i32
        %and3A_644 = arith.andi %ne3A_640, %ne3A_643 : i1
        %sub3A_645 = arith.constant 1 : i32
        %sub3A_646 = arith.subi %div3A_625, %sub3A_645 : i32
        %select_n3A_647 = arith.select %and3A_644, %sub3A_646, %div3A_625 : i32
        %rem3A_648 = arith.constant 16 : i32
        %rem3A_649 = arith.remsi %add3A_623, %rem3A_648 : i32
        %mul3A_650 = arith.constant 256 : i32
        %mul3A_651 = arith.muli %rem3A_649, %mul3A_650 : i32
        %dma_start3A_652 = tpu.memref_slice %arg2[%select_n3A_647, %mul3A_651] : memref<200x4096xi32, #tpu.memory_space<hbm>> -> memref<1x256xi32, #tpu.memory_space<hbm>>
        %dma_start3A_653 = tpu.memref_squeeze %dma_start3A_652 : memref<1x256xi32, #tpu.memory_space<hbm>> -> memref<256xi32, #tpu.memory_space<hbm>>
        %dma_start3A_654 = tpu.memref_slice %arg2[%select_n3A_647, %mul3A_651] : memref<200x4096xi32, #tpu.memory_space<hbm>> -> memref<1x256xi32, #tpu.memory_space<hbm>>
        %dma_start3A_655 = tpu.memref_squeeze %dma_start3A_654 : memref<1x256xi32, #tpu.memory_space<hbm>> -> memref<256xi32, #tpu.memory_space<hbm>>
        tpu.enqueue_dma source(%dma_start3A_655 : memref<256xi32, #tpu.memory_space<hbm>>) target(%arg6 : memref<256xi32, #tpu.memory_space<vmem>>) target_semaphore(%arg14 : memref<!tpu.dma_semaphore, #tpu.memory_space<semaphore_mem>>)
      } else {
      }
      %mul3A_481 = arith.constant 4 : i32
      %mul3A_482 = arith.muli %mul3A_481, %scan3A_364 : i32
      %add3A_483 = arith.constant 1 : i32
      %add3A_484 = arith.addi %mul3A_482, %add3A_483 : i32
      %add3A_485 = arith.constant 2 : i32
      %add3A_486 = arith.addi %add3A_484, %add3A_485 : i32
      %lt3A_487 = arith.constant 100 : i32
      %lt3A_488 = arith.cmpi slt, %add3A_486, %lt3A_487 : i32
      %convert_element_type3A_489 = arith.extui %lt3A_488 : i1 to i32
      %cond3A_490 = arith.constant 0 : i32
      %cond3A_491 = arith.cmpi ne, %convert_element_type3A_489, %cond3A_490 : i32
      scf.if %cond3A_491 {
        %mul3A_622 = arith.constant 4 : i32
        %mul3A_623 = arith.muli %mul3A_622, %scan3A_364 : i32
        %add3A_624 = arith.constant 1 : i32
        %add3A_625 = arith.addi %mul3A_623, %add3A_624 : i32
        %ge3A = arith.constant 2 : i32
        %ge3A_626 = arith.cmpi sge, %add3A_625, %ge3A : i32
        %convert_element_type3A_627 = arith.extui %ge3A_626 : i1 to i32
        %cond3A_628 = arith.constant 0 : i32
        %cond3A_629 = arith.cmpi ne, %convert_element_type3A_627, %cond3A_628 : i32
        scf.if %cond3A_629 {
          %sub3A_667 = arith.constant 2 : i32
          %sub3A_668 = arith.subi %add3A_431, %sub3A_667 : i32
          %jit3A_669 = arith.constant 16 : i32
          %div3A_670 = arith.divsi %sub3A_668, %jit3A_669 : i32
          %sign3A_671 = arith.constant 0 : i32
          %sign3A_672 = arith.cmpi sgt, %sub3A_668, %sign3A_671 : i32
          %sign3A_673 = arith.extui %sign3A_672 : i1 to i32
          %sign3A_674 = arith.constant 0 : i32
          %sign3A_675 = arith.cmpi slt, %sub3A_668, %sign3A_674 : i32
          %sign3A_676 = arith.extui %sign3A_675 : i1 to i32
          %sign3A_677 = arith.subi %sign3A_673, %sign3A_676 : i32
          %sign3A_678 = arith.constant 0 : i32
          %sign3A_679 = arith.cmpi sgt, %jit3A_669, %sign3A_678 : i32
          %sign3A_680 = arith.extui %sign3A_679 : i1 to i32
          %sign3A_681 = arith.constant 0 : i32
          %sign3A_682 = arith.cmpi slt, %jit3A_669, %sign3A_681 : i32
          %sign3A_683 = arith.extui %sign3A_682 : i1 to i32
          %sign3A_684 = arith.subi %sign3A_680, %sign3A_683 : i32
          %ne3A_685 = arith.cmpi ne, %sign3A_677, %sign3A_684 : i32
          %rem3A_686 = arith.remsi %sub3A_668, %jit3A_669 : i32
          %ne3A_687 = arith.constant 0 : i32
          %ne3A_688 = arith.cmpi ne, %rem3A_686, %ne3A_687 : i32
          %and3A_689 = arith.andi %ne3A_685, %ne3A_688 : i1
          %sub3A_690 = arith.constant 1 : i32
          %sub3A_691 = arith.subi %div3A_670, %sub3A_690 : i32
          %select_n3A_692 = arith.select %and3A_689, %sub3A_691, %div3A_670 : i32
          %rem3A_693 = arith.constant 16 : i32
          %rem3A_694 = arith.remsi %sub3A_668, %rem3A_693 : i32
          %mul3A_695 = arith.constant 4096 : i32
          %mul3A_696 = arith.muli %select_n3A_692, %mul3A_695 : i32
          %mul3A_697 = arith.constant 256 : i32
          %mul3A_698 = arith.muli %rem3A_694, %mul3A_697 : i32
          %add3A_699 = arith.addi %mul3A_696, %mul3A_698 : i32
          %dma_wait3A_700 = arith.constant 0 : i32
          %dma_wait3A_701 = tpu.memref_slice %arg4[%add3A_699, %dma_wait3A_700] : memref<819200x64xf32, #tpu.memory_space<hbm>> -> memref<256x64xf32, #tpu.memory_space<hbm>>
          %dma_wait3A_702 = arith.constant 0 : i32
          %dma_wait3A_703 = tpu.memref_slice %arg4[%add3A_699, %dma_wait3A_702] : memref<819200x64xf32, #tpu.memory_space<hbm>> -> memref<256x64xf32, #tpu.memory_space<hbm>>
          tpu.wait_dma2 semaphore(%arg24 : memref<!tpu.dma_semaphore, #tpu.memory_space<semaphore_mem>>) src(%arg12 : memref<256x64xf32, #tpu.memory_space<vmem>>) dst(%dma_wait3A_703 : memref<256x64xf32, #tpu.memory_space<hbm>>)
        } else {
        }
        %add3A_630 = arith.constant 2 : i32
        %add3A_631 = arith.addi %add3A_431, %add3A_630 : i32
        %jit3A_632 = arith.constant 16 : i32
        %div3A_633 = arith.divsi %add3A_631, %jit3A_632 : i32
        %sign3A_634 = arith.constant 0 : i32
        %sign3A_635 = arith.cmpi sgt, %add3A_631, %sign3A_634 : i32
        %sign3A_636 = arith.extui %sign3A_635 : i1 to i32
        %sign3A_637 = arith.constant 0 : i32
        %sign3A_638 = arith.cmpi slt, %add3A_631, %sign3A_637 : i32
        %sign3A_639 = arith.extui %sign3A_638 : i1 to i32
        %sign3A_640 = arith.subi %sign3A_636, %sign3A_639 : i32
        %sign3A_641 = arith.constant 0 : i32
        %sign3A_642 = arith.cmpi sgt, %jit3A_632, %sign3A_641 : i32
        %sign3A_643 = arith.extui %sign3A_642 : i1 to i32
        %sign3A_644 = arith.constant 0 : i32
        %sign3A_645 = arith.cmpi slt, %jit3A_632, %sign3A_644 : i32
        %sign3A_646 = arith.extui %sign3A_645 : i1 to i32
        %sign3A_647 = arith.subi %sign3A_643, %sign3A_646 : i32
        %ne3A_648 = arith.cmpi ne, %sign3A_640, %sign3A_647 : i32
        %rem3A_649 = arith.remsi %add3A_631, %jit3A_632 : i32
        %ne3A_650 = arith.constant 0 : i32
        %ne3A_651 = arith.cmpi ne, %rem3A_649, %ne3A_650 : i32
        %and3A_652 = arith.andi %ne3A_648, %ne3A_651 : i1
        %sub3A_653 = arith.constant 1 : i32
        %sub3A_654 = arith.subi %div3A_633, %sub3A_653 : i32
        %select_n3A_655 = arith.select %and3A_652, %sub3A_654, %div3A_633 : i32
        %rem3A_656 = arith.constant 16 : i32
        %rem3A_657 = arith.remsi %add3A_631, %rem3A_656 : i32
        %mul3A_658 = arith.constant 256 : i32
        %mul3A_659 = arith.muli %rem3A_657, %mul3A_658 : i32
        %dma_wait3A_660 = tpu.memref_slice %arg2[%select_n3A_655, %mul3A_659] : memref<200x4096xi32, #tpu.memory_space<hbm>> -> memref<1x256xi32, #tpu.memory_space<hbm>>
        %dma_wait3A_661 = tpu.memref_squeeze %dma_wait3A_660 : memref<1x256xi32, #tpu.memory_space<hbm>> -> memref<256xi32, #tpu.memory_space<hbm>>
        %dma_wait3A_662 = tpu.memref_slice %arg2[%select_n3A_655, %mul3A_659] : memref<200x4096xi32, #tpu.memory_space<hbm>> -> memref<1x256xi32, #tpu.memory_space<hbm>>
        %dma_wait3A_663 = tpu.memref_squeeze %dma_wait3A_662 : memref<1x256xi32, #tpu.memory_space<hbm>> -> memref<256xi32, #tpu.memory_space<hbm>>
        tpu.wait_dma2 semaphore(%arg16 : memref<!tpu.dma_semaphore, #tpu.memory_space<semaphore_mem>>) src(%dma_wait3A_663 : memref<256xi32, #tpu.memory_space<hbm>>) dst(%arg8 : memref<256xi32, #tpu.memory_space<vmem>>)
        %dma_start3A_664 = arith.constant 0 : i32
        %dma_start3A_665 = arith.constant 0 : i32
        %dma_start3A_666 = tpu.memref_slice %arg3[%dma_start3A_664, %dma_start3A_665] : memref<1000000x64xf32, #tpu.memory_space<hbm>> -> memref<1000000x64xf32, #tpu.memory_space<hbm>>
        tpu.enqueue_indirect_dma source(%dma_start3A_666 : memref<1000000x64xf32, #tpu.memory_space<hbm>>) target(%arg12 : memref<256x64xf32, #tpu.memory_space<vmem>>) offsets(%arg8 : memref<256xi32, #tpu.memory_space<vmem>>) semaphore(%arg20 : memref<!tpu.dma_semaphore, #tpu.memory_space<semaphore_mem>>)
      } else {
      }
      %mul3A_492 = arith.constant 4 : i32
      %mul3A_493 = arith.muli %mul3A_492, %scan3A_364 : i32
      %add3A_494 = arith.addi %mul3A_2, %mul3A_493 : i32
      %add3A_495 = arith.constant 2 : i32
      %add3A_496 = arith.addi %add3A_494, %add3A_495 : i32
      %dma_wait3A_497 = arith.constant 0 : i32
      %dma_wait3A_498 = arith.constant 0 : i32
      %dma_wait3A_499 = tpu.memref_slice %arg3[%dma_wait3A_497, %dma_wait3A_498] : memref<1000000x64xf32, #tpu.memory_space<hbm>> -> memref<1000000x64xf32, #tpu.memory_space<hbm>>
      tpu.wait_indirect_dma semaphore(%arg19 : memref<!tpu.dma_semaphore, #tpu.memory_space<semaphore_mem>>) src(%dma_wait3A_499 : memref<1000000x64xf32, #tpu.memory_space<hbm>>) dst(%arg11 : memref<256x64xf32, #tpu.memory_space<vmem>>)
      %jit3A_500 = arith.constant 16 : i32
      %div3A_501 = arith.divsi %add3A_496, %jit3A_500 : i32
      %sign3A_502 = arith.constant 0 : i32
      %sign3A_503 = arith.cmpi sgt, %add3A_496, %sign3A_502 : i32
      %sign3A_504 = arith.extui %sign3A_503 : i1 to i32
      %sign3A_505 = arith.constant 0 : i32
      %sign3A_506 = arith.cmpi slt, %add3A_496, %sign3A_505 : i32
      %sign3A_507 = arith.extui %sign3A_506 : i1 to i32
      %sign3A_508 = arith.subi %sign3A_504, %sign3A_507 : i32
      %sign3A_509 = arith.constant 0 : i32
      %sign3A_510 = arith.cmpi sgt, %jit3A_500, %sign3A_509 : i32
      %sign3A_511 = arith.extui %sign3A_510 : i1 to i32
      %sign3A_512 = arith.constant 0 : i32
      %sign3A_513 = arith.cmpi slt, %jit3A_500, %sign3A_512 : i32
      %sign3A_514 = arith.extui %sign3A_513 : i1 to i32
      %sign3A_515 = arith.subi %sign3A_511, %sign3A_514 : i32
      %ne3A_516 = arith.cmpi ne, %sign3A_508, %sign3A_515 : i32
      %rem3A_517 = arith.remsi %add3A_496, %jit3A_500 : i32
      %ne3A_518 = arith.constant 0 : i32
      %ne3A_519 = arith.cmpi ne, %rem3A_517, %ne3A_518 : i32
      %and3A_520 = arith.andi %ne3A_516, %ne3A_519 : i1
      %sub3A_521 = arith.constant 1 : i32
      %sub3A_522 = arith.subi %div3A_501, %sub3A_521 : i32
      %select_n3A_523 = arith.select %and3A_520, %sub3A_522, %div3A_501 : i32
      %rem3A_524 = arith.constant 16 : i32
      %rem3A_525 = arith.remsi %add3A_496, %rem3A_524 : i32
      %mul3A_526 = arith.constant 4096 : i32
      %mul3A_527 = arith.muli %select_n3A_523, %mul3A_526 : i32
      %mul3A_528 = arith.constant 256 : i32
      %mul3A_529 = arith.muli %rem3A_525, %mul3A_528 : i32
      %add3A_530 = arith.addi %mul3A_527, %mul3A_529 : i32
      %dma_start3A_531 = arith.constant 0 : i32
      %dma_start3A_532 = tpu.memref_slice %arg4[%add3A_530, %dma_start3A_531] : memref<819200x64xf32, #tpu.memory_space<hbm>> -> memref<256x64xf32, #tpu.memory_space<hbm>>
      %dma_start3A_533 = arith.constant 0 : i32
      %dma_start3A_534 = tpu.memref_slice %arg4[%add3A_530, %dma_start3A_533] : memref<819200x64xf32, #tpu.memory_space<hbm>> -> memref<256x64xf32, #tpu.memory_space<hbm>>
      tpu.enqueue_dma source(%arg11 : memref<256x64xf32, #tpu.memory_space<vmem>>) target(%dma_start3A_534 : memref<256x64xf32, #tpu.memory_space<hbm>>) target_semaphore(%arg23 : memref<!tpu.dma_semaphore, #tpu.memory_space<semaphore_mem>>)
      %mul3A_535 = arith.constant 4 : i32
      %mul3A_536 = arith.muli %mul3A_535, %scan3A_364 : i32
      %add3A_537 = arith.constant 2 : i32
      %add3A_538 = arith.addi %mul3A_536, %add3A_537 : i32
      %add3A_539 = arith.constant 4 : i32
      %add3A_540 = arith.addi %add3A_538, %add3A_539 : i32
      %lt3A_541 = arith.constant 100 : i32
      %lt3A_542 = arith.cmpi slt, %add3A_540, %lt3A_541 : i32
      %convert_element_type3A_543 = arith.extui %lt3A_542 : i1 to i32
      %cond3A_544 = arith.constant 0 : i32
      %cond3A_545 = arith.cmpi ne, %convert_element_type3A_543, %cond3A_544 : i32
      scf.if %cond3A_545 {
        %add3A_622 = arith.constant 4 : i32
        %add3A_623 = arith.addi %add3A_496, %add3A_622 : i32
        %jit3A_624 = arith.constant 16 : i32
        %div3A_625 = arith.divsi %add3A_623, %jit3A_624 : i32
        %sign3A_626 = arith.constant 0 : i32
        %sign3A_627 = arith.cmpi sgt, %add3A_623, %sign3A_626 : i32
        %sign3A_628 = arith.extui %sign3A_627 : i1 to i32
        %sign3A_629 = arith.constant 0 : i32
        %sign3A_630 = arith.cmpi slt, %add3A_623, %sign3A_629 : i32
        %sign3A_631 = arith.extui %sign3A_630 : i1 to i32
        %sign3A_632 = arith.subi %sign3A_628, %sign3A_631 : i32
        %sign3A_633 = arith.constant 0 : i32
        %sign3A_634 = arith.cmpi sgt, %jit3A_624, %sign3A_633 : i32
        %sign3A_635 = arith.extui %sign3A_634 : i1 to i32
        %sign3A_636 = arith.constant 0 : i32
        %sign3A_637 = arith.cmpi slt, %jit3A_624, %sign3A_636 : i32
        %sign3A_638 = arith.extui %sign3A_637 : i1 to i32
        %sign3A_639 = arith.subi %sign3A_635, %sign3A_638 : i32
        %ne3A_640 = arith.cmpi ne, %sign3A_632, %sign3A_639 : i32
        %rem3A_641 = arith.remsi %add3A_623, %jit3A_624 : i32
        %ne3A_642 = arith.constant 0 : i32
        %ne3A_643 = arith.cmpi ne, %rem3A_641, %ne3A_642 : i32
        %and3A_644 = arith.andi %ne3A_640, %ne3A_643 : i1
        %sub3A_645 = arith.constant 1 : i32
        %sub3A_646 = arith.subi %div3A_625, %sub3A_645 : i32
        %select_n3A_647 = arith.select %and3A_644, %sub3A_646, %div3A_625 : i32
        %rem3A_648 = arith.constant 16 : i32
        %rem3A_649 = arith.remsi %add3A_623, %rem3A_648 : i32
        %mul3A_650 = arith.constant 256 : i32
        %mul3A_651 = arith.muli %rem3A_649, %mul3A_650 : i32
        %dma_start3A_652 = tpu.memref_slice %arg2[%select_n3A_647, %mul3A_651] : memref<200x4096xi32, #tpu.memory_space<hbm>> -> memref<1x256xi32, #tpu.memory_space<hbm>>
        %dma_start3A_653 = tpu.memref_squeeze %dma_start3A_652 : memref<1x256xi32, #tpu.memory_space<hbm>> -> memref<256xi32, #tpu.memory_space<hbm>>
        %dma_start3A_654 = tpu.memref_slice %arg2[%select_n3A_647, %mul3A_651] : memref<200x4096xi32, #tpu.memory_space<hbm>> -> memref<1x256xi32, #tpu.memory_space<hbm>>
        %dma_start3A_655 = tpu.memref_squeeze %dma_start3A_654 : memref<1x256xi32, #tpu.memory_space<hbm>> -> memref<256xi32, #tpu.memory_space<hbm>>
        tpu.enqueue_dma source(%dma_start3A_655 : memref<256xi32, #tpu.memory_space<hbm>>) target(%arg7 : memref<256xi32, #tpu.memory_space<vmem>>) target_semaphore(%arg15 : memref<!tpu.dma_semaphore, #tpu.memory_space<semaphore_mem>>)
      } else {
      }
      %mul3A_546 = arith.constant 4 : i32
      %mul3A_547 = arith.muli %mul3A_546, %scan3A_364 : i32
      %add3A_548 = arith.constant 2 : i32
      %add3A_549 = arith.addi %mul3A_547, %add3A_548 : i32
      %add3A_550 = arith.constant 2 : i32
      %add3A_551 = arith.addi %add3A_549, %add3A_550 : i32
      %lt3A_552 = arith.constant 100 : i32
      %lt3A_553 = arith.cmpi slt, %add3A_551, %lt3A_552 : i32
      %convert_element_type3A_554 = arith.extui %lt3A_553 : i1 to i32
      %cond3A_555 = arith.constant 0 : i32
      %cond3A_556 = arith.cmpi ne, %convert_element_type3A_554, %cond3A_555 : i32
      scf.if %cond3A_556 {
        %mul3A_622 = arith.constant 4 : i32
        %mul3A_623 = arith.muli %mul3A_622, %scan3A_364 : i32
        %add3A_624 = arith.constant 2 : i32
        %add3A_625 = arith.addi %mul3A_623, %add3A_624 : i32
        %ge3A = arith.constant 2 : i32
        %ge3A_626 = arith.cmpi sge, %add3A_625, %ge3A : i32
        %convert_element_type3A_627 = arith.extui %ge3A_626 : i1 to i32
        %cond3A_628 = arith.constant 0 : i32
        %cond3A_629 = arith.cmpi ne, %convert_element_type3A_627, %cond3A_628 : i32
        scf.if %cond3A_629 {
          %sub3A_667 = arith.constant 2 : i32
          %sub3A_668 = arith.subi %add3A_496, %sub3A_667 : i32
          %jit3A_669 = arith.constant 16 : i32
          %div3A_670 = arith.divsi %sub3A_668, %jit3A_669 : i32
          %sign3A_671 = arith.constant 0 : i32
          %sign3A_672 = arith.cmpi sgt, %sub3A_668, %sign3A_671 : i32
          %sign3A_673 = arith.extui %sign3A_672 : i1 to i32
          %sign3A_674 = arith.constant 0 : i32
          %sign3A_675 = arith.cmpi slt, %sub3A_668, %sign3A_674 : i32
          %sign3A_676 = arith.extui %sign3A_675 : i1 to i32
          %sign3A_677 = arith.subi %sign3A_673, %sign3A_676 : i32
          %sign3A_678 = arith.constant 0 : i32
          %sign3A_679 = arith.cmpi sgt, %jit3A_669, %sign3A_678 : i32
          %sign3A_680 = arith.extui %sign3A_679 : i1 to i32
          %sign3A_681 = arith.constant 0 : i32
          %sign3A_682 = arith.cmpi slt, %jit3A_669, %sign3A_681 : i32
          %sign3A_683 = arith.extui %sign3A_682 : i1 to i32
          %sign3A_684 = arith.subi %sign3A_680, %sign3A_683 : i32
          %ne3A_685 = arith.cmpi ne, %sign3A_677, %sign3A_684 : i32
          %rem3A_686 = arith.remsi %sub3A_668, %jit3A_669 : i32
          %ne3A_687 = arith.constant 0 : i32
          %ne3A_688 = arith.cmpi ne, %rem3A_686, %ne3A_687 : i32
          %and3A_689 = arith.andi %ne3A_685, %ne3A_688 : i1
          %sub3A_690 = arith.constant 1 : i32
          %sub3A_691 = arith.subi %div3A_670, %sub3A_690 : i32
          %select_n3A_692 = arith.select %and3A_689, %sub3A_691, %div3A_670 : i32
          %rem3A_693 = arith.constant 16 : i32
          %rem3A_694 = arith.remsi %sub3A_668, %rem3A_693 : i32
          %mul3A_695 = arith.constant 4096 : i32
          %mul3A_696 = arith.muli %select_n3A_692, %mul3A_695 : i32
          %mul3A_697 = arith.constant 256 : i32
          %mul3A_698 = arith.muli %rem3A_694, %mul3A_697 : i32
          %add3A_699 = arith.addi %mul3A_696, %mul3A_698 : i32
          %dma_wait3A_700 = arith.constant 0 : i32
          %dma_wait3A_701 = tpu.memref_slice %arg4[%add3A_699, %dma_wait3A_700] : memref<819200x64xf32, #tpu.memory_space<hbm>> -> memref<256x64xf32, #tpu.memory_space<hbm>>
          %dma_wait3A_702 = arith.constant 0 : i32
          %dma_wait3A_703 = tpu.memref_slice %arg4[%add3A_699, %dma_wait3A_702] : memref<819200x64xf32, #tpu.memory_space<hbm>> -> memref<256x64xf32, #tpu.memory_space<hbm>>
          tpu.wait_dma2 semaphore(%arg21 : memref<!tpu.dma_semaphore, #tpu.memory_space<semaphore_mem>>) src(%arg9 : memref<256x64xf32, #tpu.memory_space<vmem>>) dst(%dma_wait3A_703 : memref<256x64xf32, #tpu.memory_space<hbm>>)
        } else {
        }
        %add3A_630 = arith.constant 2 : i32
        %add3A_631 = arith.addi %add3A_496, %add3A_630 : i32
        %jit3A_632 = arith.constant 16 : i32
        %div3A_633 = arith.divsi %add3A_631, %jit3A_632 : i32
        %sign3A_634 = arith.constant 0 : i32
        %sign3A_635 = arith.cmpi sgt, %add3A_631, %sign3A_634 : i32
        %sign3A_636 = arith.extui %sign3A_635 : i1 to i32
        %sign3A_637 = arith.constant 0 : i32
        %sign3A_638 = arith.cmpi slt, %add3A_631, %sign3A_637 : i32
        %sign3A_639 = arith.extui %sign3A_638 : i1 to i32
        %sign3A_640 = arith.subi %sign3A_636, %sign3A_639 : i32
        %sign3A_641 = arith.constant 0 : i32
        %sign3A_642 = arith.cmpi sgt, %jit3A_632, %sign3A_641 : i32
        %sign3A_643 = arith.extui %sign3A_642 : i1 to i32
        %sign3A_644 = arith.constant 0 : i32
        %sign3A_645 = arith.cmpi slt, %jit3A_632, %sign3A_644 : i32
        %sign3A_646 = arith.extui %sign3A_645 : i1 to i32
        %sign3A_647 = arith.subi %sign3A_643, %sign3A_646 : i32
        %ne3A_648 = arith.cmpi ne, %sign3A_640, %sign3A_647 : i32
        %rem3A_649 = arith.remsi %add3A_631, %jit3A_632 : i32
        %ne3A_650 = arith.constant 0 : i32
        %ne3A_651 = arith.cmpi ne, %rem3A_649, %ne3A_650 : i32
        %and3A_652 = arith.andi %ne3A_648, %ne3A_651 : i1
        %sub3A_653 = arith.constant 1 : i32
        %sub3A_654 = arith.subi %div3A_633, %sub3A_653 : i32
        %select_n3A_655 = arith.select %and3A_652, %sub3A_654, %div3A_633 : i32
        %rem3A_656 = arith.constant 16 : i32
        %rem3A_657 = arith.remsi %add3A_631, %rem3A_656 : i32
        %mul3A_658 = arith.constant 256 : i32
        %mul3A_659 = arith.muli %rem3A_657, %mul3A_658 : i32
        %dma_wait3A_660 = tpu.memref_slice %arg2[%select_n3A_655, %mul3A_659] : memref<200x4096xi32, #tpu.memory_space<hbm>> -> memref<1x256xi32, #tpu.memory_space<hbm>>
        %dma_wait3A_661 = tpu.memref_squeeze %dma_wait3A_660 : memref<1x256xi32, #tpu.memory_space<hbm>> -> memref<256xi32, #tpu.memory_space<hbm>>
        %dma_wait3A_662 = tpu.memref_slice %arg2[%select_n3A_655, %mul3A_659] : memref<200x4096xi32, #tpu.memory_space<hbm>> -> memref<1x256xi32, #tpu.memory_space<hbm>>
        %dma_wait3A_663 = tpu.memref_squeeze %dma_wait3A_662 : memref<1x256xi32, #tpu.memory_space<hbm>> -> memref<256xi32, #tpu.memory_space<hbm>>
        tpu.wait_dma2 semaphore(%arg13 : memref<!tpu.dma_semaphore, #tpu.memory_space<semaphore_mem>>) src(%dma_wait3A_663 : memref<256xi32, #tpu.memory_space<hbm>>) dst(%arg5 : memref<256xi32, #tpu.memory_space<vmem>>)
        %dma_start3A_664 = arith.constant 0 : i32
        %dma_start3A_665 = arith.constant 0 : i32
        %dma_start3A_666 = tpu.memref_slice %arg3[%dma_start3A_664, %dma_start3A_665] : memref<1000000x64xf32, #tpu.memory_space<hbm>> -> memref<1000000x64xf32, #tpu.memory_space<hbm>>
        tpu.enqueue_indirect_dma source(%dma_start3A_666 : memref<1000000x64xf32, #tpu.memory_space<hbm>>) target(%arg9 : memref<256x64xf32, #tpu.memory_space<vmem>>) offsets(%arg5 : memref<256xi32, #tpu.memory_space<vmem>>) semaphore(%arg17 : memref<!tpu.dma_semaphore, #tpu.memory_space<semaphore_mem>>)
      } else {
      }
      %mul3A_557 = arith.constant 4 : i32
      %mul3A_558 = arith.muli %mul3A_557, %scan3A_364 : i32
      %add3A_559 = arith.addi %mul3A_2, %mul3A_558 : i32
      %add3A_560 = arith.constant 3 : i32
      %add3A_561 = arith.addi %add3A_559, %add3A_560 : i32
      %dma_wait3A_562 = arith.constant 0 : i32
      %dma_wait3A_563 = arith.constant 0 : i32
      %dma_wait3A_564 = tpu.memref_slice %arg3[%dma_wait3A_562, %dma_wait3A_563] : memref<1000000x64xf32, #tpu.memory_space<hbm>> -> memref<1000000x64xf32, #tpu.memory_space<hbm>>
      tpu.wait_indirect_dma semaphore(%arg20 : memref<!tpu.dma_semaphore, #tpu.memory_space<semaphore_mem>>) src(%dma_wait3A_564 : memref<1000000x64xf32, #tpu.memory_space<hbm>>) dst(%arg12 : memref<256x64xf32, #tpu.memory_space<vmem>>)
      %jit3A_565 = arith.constant 16 : i32
      %div3A_566 = arith.divsi %add3A_561, %jit3A_565 : i32
      %sign3A_567 = arith.constant 0 : i32
      %sign3A_568 = arith.cmpi sgt, %add3A_561, %sign3A_567 : i32
      %sign3A_569 = arith.extui %sign3A_568 : i1 to i32
      %sign3A_570 = arith.constant 0 : i32
      %sign3A_571 = arith.cmpi slt, %add3A_561, %sign3A_570 : i32
      %sign3A_572 = arith.extui %sign3A_571 : i1 to i32
      %sign3A_573 = arith.subi %sign3A_569, %sign3A_572 : i32
      %sign3A_574 = arith.constant 0 : i32
      %sign3A_575 = arith.cmpi sgt, %jit3A_565, %sign3A_574 : i32
      %sign3A_576 = arith.extui %sign3A_575 : i1 to i32
      %sign3A_577 = arith.constant 0 : i32
      %sign3A_578 = arith.cmpi slt, %jit3A_565, %sign3A_577 : i32
      %sign3A_579 = arith.extui %sign3A_578 : i1 to i32
      %sign3A_580 = arith.subi %sign3A_576, %sign3A_579 : i32
      %ne3A_581 = arith.cmpi ne, %sign3A_573, %sign3A_580 : i32
      %rem3A_582 = arith.remsi %add3A_561, %jit3A_565 : i32
      %ne3A_583 = arith.constant 0 : i32
      %ne3A_584 = arith.cmpi ne, %rem3A_582, %ne3A_583 : i32
      %and3A_585 = arith.andi %ne3A_581, %ne3A_584 : i1
      %sub3A_586 = arith.constant 1 : i32
      %sub3A_587 = arith.subi %div3A_566, %sub3A_586 : i32
      %select_n3A_588 = arith.select %and3A_585, %sub3A_587, %div3A_566 : i32
      %rem3A_589 = arith.constant 16 : i32
      %rem3A_590 = arith.remsi %add3A_561, %rem3A_589 : i32
      %mul3A_591 = arith.constant 4096 : i32
      %mul3A_592 = arith.muli %select_n3A_588, %mul3A_591 : i32
      %mul3A_593 = arith.constant 256 : i32
      %mul3A_594 = arith.muli %rem3A_590, %mul3A_593 : i32
      %add3A_595 = arith.addi %mul3A_592, %mul3A_594 : i32
      %dma_start3A_596 = arith.constant 0 : i32
      %dma_start3A_597 = tpu.memref_slice %arg4[%add3A_595, %dma_start3A_596] : memref<819200x64xf32, #tpu.memory_space<hbm>> -> memref<256x64xf32, #tpu.memory_space<hbm>>
      %dma_start3A_598 = arith.constant 0 : i32
      %dma_start3A_599 = tpu.memref_slice %arg4[%add3A_595, %dma_start3A_598] : memref<819200x64xf32, #tpu.memory_space<hbm>> -> memref<256x64xf32, #tpu.memory_space<hbm>>
      tpu.enqueue_dma source(%arg12 : memref<256x64xf32, #tpu.memory_space<vmem>>) target(%dma_start3A_599 : memref<256x64xf32, #tpu.memory_space<hbm>>) target_semaphore(%arg24 : memref<!tpu.dma_semaphore, #tpu.memory_space<semaphore_mem>>)
      %mul3A_600 = arith.constant 4 : i32
      %mul3A_601 = arith.muli %mul3A_600, %scan3A_364 : i32
      %add3A_602 = arith.constant 3 : i32
      %add3A_603 = arith.addi %mul3A_601, %add3A_602 : i32
      %add3A_604 = arith.constant 4 : i32
      %add3A_605 = arith.addi %add3A_603, %add3A_604 : i32
      %lt3A_606 = arith.constant 100 : i32
      %lt3A_607 = arith.cmpi slt, %add3A_605, %lt3A_606 : i32
      %convert_element_type3A_608 = arith.extui %lt3A_607 : i1 to i32
      %cond3A_609 = arith.constant 0 : i32
      %cond3A_610 = arith.cmpi ne, %convert_element_type3A_608, %cond3A_609 : i32
      scf.if %cond3A_610 {
        %add3A_622 = arith.constant 4 : i32
        %add3A_623 = arith.addi %add3A_561, %add3A_622 : i32
        %jit3A_624 = arith.constant 16 : i32
        %div3A_625 = arith.divsi %add3A_623, %jit3A_624 : i32
        %sign3A_626 = arith.constant 0 : i32
        %sign3A_627 = arith.cmpi sgt, %add3A_623, %sign3A_626 : i32
        %sign3A_628 = arith.extui %sign3A_627 : i1 to i32
        %sign3A_629 = arith.constant 0 : i32
        %sign3A_630 = arith.cmpi slt, %add3A_623, %sign3A_629 : i32
        %sign3A_631 = arith.extui %sign3A_630 : i1 to i32
        %sign3A_632 = arith.subi %sign3A_628, %sign3A_631 : i32
        %sign3A_633 = arith.constant 0 : i32
        %sign3A_634 = arith.cmpi sgt, %jit3A_624, %sign3A_633 : i32
        %sign3A_635 = arith.extui %sign3A_634 : i1 to i32
        %sign3A_636 = arith.constant 0 : i32
        %sign3A_637 = arith.cmpi slt, %jit3A_624, %sign3A_636 : i32
        %sign3A_638 = arith.extui %sign3A_637 : i1 to i32
        %sign3A_639 = arith.subi %sign3A_635, %sign3A_638 : i32
        %ne3A_640 = arith.cmpi ne, %sign3A_632, %sign3A_639 : i32
        %rem3A_641 = arith.remsi %add3A_623, %jit3A_624 : i32
        %ne3A_642 = arith.constant 0 : i32
        %ne3A_643 = arith.cmpi ne, %rem3A_641, %ne3A_642 : i32
        %and3A_644 = arith.andi %ne3A_640, %ne3A_643 : i1
        %sub3A_645 = arith.constant 1 : i32
        %sub3A_646 = arith.subi %div3A_625, %sub3A_645 : i32
        %select_n3A_647 = arith.select %and3A_644, %sub3A_646, %div3A_625 : i32
        %rem3A_648 = arith.constant 16 : i32
        %rem3A_649 = arith.remsi %add3A_623, %rem3A_648 : i32
        %mul3A_650 = arith.constant 256 : i32
        %mul3A_651 = arith.muli %rem3A_649, %mul3A_650 : i32
        %dma_start3A_652 = tpu.memref_slice %arg2[%select_n3A_647, %mul3A_651] : memref<200x4096xi32, #tpu.memory_space<hbm>> -> memref<1x256xi32, #tpu.memory_space<hbm>>
        %dma_start3A_653 = tpu.memref_squeeze %dma_start3A_652 : memref<1x256xi32, #tpu.memory_space<hbm>> -> memref<256xi32, #tpu.memory_space<hbm>>
        %dma_start3A_654 = tpu.memref_slice %arg2[%select_n3A_647, %mul3A_651] : memref<200x4096xi32, #tpu.memory_space<hbm>> -> memref<1x256xi32, #tpu.memory_space<hbm>>
        %dma_start3A_655 = tpu.memref_squeeze %dma_start3A_654 : memref<1x256xi32, #tpu.memory_space<hbm>> -> memref<256xi32, #tpu.memory_space<hbm>>
        tpu.enqueue_dma source(%dma_start3A_655 : memref<256xi32, #tpu.memory_space<hbm>>) target(%arg8 : memref<256xi32, #tpu.memory_space<vmem>>) target_semaphore(%arg16 : memref<!tpu.dma_semaphore, #tpu.memory_space<semaphore_mem>>)
      } else {
      }
      %mul3A_611 = arith.constant 4 : i32
      %mul3A_612 = arith.muli %mul3A_611, %scan3A_364 : i32
      %add3A_613 = arith.constant 3 : i32
      %add3A_614 = arith.addi %mul3A_612, %add3A_613 : i32
      %add3A_615 = arith.constant 2 : i32
      %add3A_616 = arith.addi %add3A_614, %add3A_615 : i32
      %lt3A_617 = arith.constant 100 : i32
      %lt3A_618 = arith.cmpi slt, %add3A_616, %lt3A_617 : i32
      %convert_element_type3A_619 = arith.extui %lt3A_618 : i1 to i32
      %cond3A_620 = arith.constant 0 : i32
      %cond3A_621 = arith.cmpi ne, %convert_element_type3A_619, %cond3A_620 : i32
      scf.if %cond3A_621 {
        %mul3A_622 = arith.constant 4 : i32
        %mul3A_623 = arith.muli %mul3A_622, %scan3A_364 : i32
        %add3A_624 = arith.constant 3 : i32
        %add3A_625 = arith.addi %mul3A_623, %add3A_624 : i32
        %ge3A = arith.constant 2 : i32
        %ge3A_626 = arith.cmpi sge, %add3A_625, %ge3A : i32
        %convert_element_type3A_627 = arith.extui %ge3A_626 : i1 to i32
        %cond3A_628 = arith.constant 0 : i32
        %cond3A_629 = arith.cmpi ne, %convert_element_type3A_627, %cond3A_628 : i32
        scf.if %cond3A_629 {
          %sub3A_667 = arith.constant 2 : i32
          %sub3A_668 = arith.subi %add3A_561, %sub3A_667 : i32
          %jit3A_669 = arith.constant 16 : i32
          %div3A_670 = arith.divsi %sub3A_668, %jit3A_669 : i32
          %sign3A_671 = arith.constant 0 : i32
          %sign3A_672 = arith.cmpi sgt, %sub3A_668, %sign3A_671 : i32
          %sign3A_673 = arith.extui %sign3A_672 : i1 to i32
          %sign3A_674 = arith.constant 0 : i32
          %sign3A_675 = arith.cmpi slt, %sub3A_668, %sign3A_674 : i32
          %sign3A_676 = arith.extui %sign3A_675 : i1 to i32
          %sign3A_677 = arith.subi %sign3A_673, %sign3A_676 : i32
          %sign3A_678 = arith.constant 0 : i32
          %sign3A_679 = arith.cmpi sgt, %jit3A_669, %sign3A_678 : i32
          %sign3A_680 = arith.extui %sign3A_679 : i1 to i32
          %sign3A_681 = arith.constant 0 : i32
          %sign3A_682 = arith.cmpi slt, %jit3A_669, %sign3A_681 : i32
          %sign3A_683 = arith.extui %sign3A_682 : i1 to i32
          %sign3A_684 = arith.subi %sign3A_680, %sign3A_683 : i32
          %ne3A_685 = arith.cmpi ne, %sign3A_677, %sign3A_684 : i32
          %rem3A_686 = arith.remsi %sub3A_668, %jit3A_669 : i32
          %ne3A_687 = arith.constant 0 : i32
          %ne3A_688 = arith.cmpi ne, %rem3A_686, %ne3A_687 : i32
          %and3A_689 = arith.andi %ne3A_685, %ne3A_688 : i1
          %sub3A_690 = arith.constant 1 : i32
          %sub3A_691 = arith.subi %div3A_670, %sub3A_690 : i32
          %select_n3A_692 = arith.select %and3A_689, %sub3A_691, %div3A_670 : i32
          %rem3A_693 = arith.constant 16 : i32
          %rem3A_694 = arith.remsi %sub3A_668, %rem3A_693 : i32
          %mul3A_695 = arith.constant 4096 : i32
          %mul3A_696 = arith.muli %select_n3A_692, %mul3A_695 : i32
          %mul3A_697 = arith.constant 256 : i32
          %mul3A_698 = arith.muli %rem3A_694, %mul3A_697 : i32
          %add3A_699 = arith.addi %mul3A_696, %mul3A_698 : i32
          %dma_wait3A_700 = arith.constant 0 : i32
          %dma_wait3A_701 = tpu.memref_slice %arg4[%add3A_699, %dma_wait3A_700] : memref<819200x64xf32, #tpu.memory_space<hbm>> -> memref<256x64xf32, #tpu.memory_space<hbm>>
          %dma_wait3A_702 = arith.constant 0 : i32
          %dma_wait3A_703 = tpu.memref_slice %arg4[%add3A_699, %dma_wait3A_702] : memref<819200x64xf32, #tpu.memory_space<hbm>> -> memref<256x64xf32, #tpu.memory_space<hbm>>
          tpu.wait_dma2 semaphore(%arg22 : memref<!tpu.dma_semaphore, #tpu.memory_space<semaphore_mem>>) src(%arg10 : memref<256x64xf32, #tpu.memory_space<vmem>>) dst(%dma_wait3A_703 : memref<256x64xf32, #tpu.memory_space<hbm>>)
        } else {
        }
        %add3A_630 = arith.constant 2 : i32
        %add3A_631 = arith.addi %add3A_561, %add3A_630 : i32
        %jit3A_632 = arith.constant 16 : i32
        %div3A_633 = arith.divsi %add3A_631, %jit3A_632 : i32
        %sign3A_634 = arith.constant 0 : i32
        %sign3A_635 = arith.cmpi sgt, %add3A_631, %sign3A_634 : i32
        %sign3A_636 = arith.extui %sign3A_635 : i1 to i32
        %sign3A_637 = arith.constant 0 : i32
        %sign3A_638 = arith.cmpi slt, %add3A_631, %sign3A_637 : i32
        %sign3A_639 = arith.extui %sign3A_638 : i1 to i32
        %sign3A_640 = arith.subi %sign3A_636, %sign3A_639 : i32
        %sign3A_641 = arith.constant 0 : i32
        %sign3A_642 = arith.cmpi sgt, %jit3A_632, %sign3A_641 : i32
        %sign3A_643 = arith.extui %sign3A_642 : i1 to i32
        %sign3A_644 = arith.constant 0 : i32
        %sign3A_645 = arith.cmpi slt, %jit3A_632, %sign3A_644 : i32
        %sign3A_646 = arith.extui %sign3A_645 : i1 to i32
        %sign3A_647 = arith.subi %sign3A_643, %sign3A_646 : i32
        %ne3A_648 = arith.cmpi ne, %sign3A_640, %sign3A_647 : i32
        %rem3A_649 = arith.remsi %add3A_631, %jit3A_632 : i32
        %ne3A_650 = arith.constant 0 : i32
        %ne3A_651 = arith.cmpi ne, %rem3A_649, %ne3A_650 : i32
        %and3A_652 = arith.andi %ne3A_648, %ne3A_651 : i1
        %sub3A_653 = arith.constant 1 : i32
        %sub3A_654 = arith.subi %div3A_633, %sub3A_653 : i32
        %select_n3A_655 = arith.select %and3A_652, %sub3A_654, %div3A_633 : i32
        %rem3A_656 = arith.constant 16 : i32
        %rem3A_657 = arith.remsi %add3A_631, %rem3A_656 : i32
        %mul3A_658 = arith.constant 256 : i32
        %mul3A_659 = arith.muli %rem3A_657, %mul3A_658 : i32
        %dma_wait3A_660 = tpu.memref_slice %arg2[%select_n3A_655, %mul3A_659] : memref<200x4096xi32, #tpu.memory_space<hbm>> -> memref<1x256xi32, #tpu.memory_space<hbm>>
        %dma_wait3A_661 = tpu.memref_squeeze %dma_wait3A_660 : memref<1x256xi32, #tpu.memory_space<hbm>> -> memref<256xi32, #tpu.memory_space<hbm>>
        %dma_wait3A_662 = tpu.memref_slice %arg2[%select_n3A_655, %mul3A_659] : memref<200x4096xi32, #tpu.memory_space<hbm>> -> memref<1x256xi32, #tpu.memory_space<hbm>>
        %dma_wait3A_663 = tpu.memref_squeeze %dma_wait3A_662 : memref<1x256xi32, #tpu.memory_space<hbm>> -> memref<256xi32, #tpu.memory_space<hbm>>
        tpu.wait_dma2 semaphore(%arg14 : memref<!tpu.dma_semaphore, #tpu.memory_space<semaphore_mem>>) src(%dma_wait3A_663 : memref<256xi32, #tpu.memory_space<hbm>>) dst(%arg6 : memref<256xi32, #tpu.memory_space<vmem>>)
        %dma_start3A_664 = arith.constant 0 : i32
        %dma_start3A_665 = arith.constant 0 : i32
        %dma_start3A_666 = tpu.memref_slice %arg3[%dma_start3A_664, %dma_start3A_665] : memref<1000000x64xf32, #tpu.memory_space<hbm>> -> memref<1000000x64xf32, #tpu.memory_space<hbm>>
        tpu.enqueue_indirect_dma source(%dma_start3A_666 : memref<1000000x64xf32, #tpu.memory_space<hbm>>) target(%arg10 : memref<256x64xf32, #tpu.memory_space<vmem>>) offsets(%arg6 : memref<256xi32, #tpu.memory_space<vmem>>) semaphore(%arg18 : memref<!tpu.dma_semaphore, #tpu.memory_space<semaphore_mem>>)
      } else {
      }
    }
    %scan3A_207 = arith.constant 25 : i32
    %add3A_208 = arith.constant 100 : i32
    %add3A_209 = arith.addi %mul3A_2, %add3A_208 : i32
    %sub3A_210 = arith.constant 4 : i32
    %sub3A_211 = arith.subi %add3A_209, %sub3A_210 : i32
    %jit3A_212 = arith.constant 16 : i32
    %div3A_213 = arith.divsi %sub3A_211, %jit3A_212 : i32
    %sign3A_214 = arith.constant 0 : i32
    %sign3A_215 = arith.cmpi sgt, %sub3A_211, %sign3A_214 : i32
    %sign3A_216 = arith.extui %sign3A_215 : i1 to i32
    %sign3A_217 = arith.constant 0 : i32
    %sign3A_218 = arith.cmpi slt, %sub3A_211, %sign3A_217 : i32
    %sign3A_219 = arith.extui %sign3A_218 : i1 to i32
    %sign3A_220 = arith.subi %sign3A_216, %sign3A_219 : i32
    %sign3A_221 = arith.constant 0 : i32
    %sign3A_222 = arith.cmpi sgt, %jit3A_212, %sign3A_221 : i32
    %sign3A_223 = arith.extui %sign3A_222 : i1 to i32
    %sign3A_224 = arith.constant 0 : i32
    %sign3A_225 = arith.cmpi slt, %jit3A_212, %sign3A_224 : i32
    %sign3A_226 = arith.extui %sign3A_225 : i1 to i32
    %sign3A_227 = arith.subi %sign3A_223, %sign3A_226 : i32
    %ne3A_228 = arith.cmpi ne, %sign3A_220, %sign3A_227 : i32
    %rem3A_229 = arith.remsi %sub3A_211, %jit3A_212 : i32
    %ne3A_230 = arith.constant 0 : i32
    %ne3A_231 = arith.cmpi ne, %rem3A_229, %ne3A_230 : i32
    %and3A_232 = arith.andi %ne3A_228, %ne3A_231 : i1
    %sub3A_233 = arith.constant 1 : i32
    %sub3A_234 = arith.subi %div3A_213, %sub3A_233 : i32
    %select_n3A_235 = arith.select %and3A_232, %sub3A_234, %div3A_213 : i32
    %rem3A_236 = arith.constant 16 : i32
    %rem3A_237 = arith.remsi %sub3A_211, %rem3A_236 : i32
    %mul3A_238 = arith.constant 4096 : i32
    %mul3A_239 = arith.muli %select_n3A_235, %mul3A_238 : i32
    %mul3A_240 = arith.constant 256 : i32
    %mul3A_241 = arith.muli %rem3A_237, %mul3A_240 : i32
    %add3A_242 = arith.addi %mul3A_239, %mul3A_241 : i32
    %dma_wait3A_243 = arith.constant 0 : i32
    %dma_wait3A_244 = tpu.memref_slice %arg4[%add3A_242, %dma_wait3A_243] : memref<819200x64xf32, #tpu.memory_space<hbm>> -> memref<256x64xf32, #tpu.memory_space<hbm>>
    %dma_wait3A_245 = arith.constant 0 : i32
    %dma_wait3A_246 = tpu.memref_slice %arg4[%add3A_242, %dma_wait3A_245] : memref<819200x64xf32, #tpu.memory_space<hbm>> -> memref<256x64xf32, #tpu.memory_space<hbm>>
    tpu.wait_dma2 semaphore(%arg21 : memref<!tpu.dma_semaphore, #tpu.memory_space<semaphore_mem>>) src(%arg9 : memref<256x64xf32, #tpu.memory_space<vmem>>) dst(%dma_wait3A_246 : memref<256x64xf32, #tpu.memory_space<hbm>>)
    %add3A_247 = arith.constant 100 : i32
    %add3A_248 = arith.addi %mul3A_2, %add3A_247 : i32
    %sub3A_249 = arith.constant 3 : i32
    %sub3A_250 = arith.subi %add3A_248, %sub3A_249 : i32
    %jit3A_251 = arith.constant 16 : i32
    %div3A_252 = arith.divsi %sub3A_250, %jit3A_251 : i32
    %sign3A_253 = arith.constant 0 : i32
    %sign3A_254 = arith.cmpi sgt, %sub3A_250, %sign3A_253 : i32
    %sign3A_255 = arith.extui %sign3A_254 : i1 to i32
    %sign3A_256 = arith.constant 0 : i32
    %sign3A_257 = arith.cmpi slt, %sub3A_250, %sign3A_256 : i32
    %sign3A_258 = arith.extui %sign3A_257 : i1 to i32
    %sign3A_259 = arith.subi %sign3A_255, %sign3A_258 : i32
    %sign3A_260 = arith.constant 0 : i32
    %sign3A_261 = arith.cmpi sgt, %jit3A_251, %sign3A_260 : i32
    %sign3A_262 = arith.extui %sign3A_261 : i1 to i32
    %sign3A_263 = arith.constant 0 : i32
    %sign3A_264 = arith.cmpi slt, %jit3A_251, %sign3A_263 : i32
    %sign3A_265 = arith.extui %sign3A_264 : i1 to i32
    %sign3A_266 = arith.subi %sign3A_262, %sign3A_265 : i32
    %ne3A_267 = arith.cmpi ne, %sign3A_259, %sign3A_266 : i32
    %rem3A_268 = arith.remsi %sub3A_250, %jit3A_251 : i32
    %ne3A_269 = arith.constant 0 : i32
    %ne3A_270 = arith.cmpi ne, %rem3A_268, %ne3A_269 : i32
    %and3A_271 = arith.andi %ne3A_267, %ne3A_270 : i1
    %sub3A_272 = arith.constant 1 : i32
    %sub3A_273 = arith.subi %div3A_252, %sub3A_272 : i32
    %select_n3A_274 = arith.select %and3A_271, %sub3A_273, %div3A_252 : i32
    %rem3A_275 = arith.constant 16 : i32
    %rem3A_276 = arith.remsi %sub3A_250, %rem3A_275 : i32
    %mul3A_277 = arith.constant 4096 : i32
    %mul3A_278 = arith.muli %select_n3A_274, %mul3A_277 : i32
    %mul3A_279 = arith.constant 256 : i32
    %mul3A_280 = arith.muli %rem3A_276, %mul3A_279 : i32
    %add3A_281 = arith.addi %mul3A_278, %mul3A_280 : i32
    %dma_wait3A_282 = arith.constant 0 : i32
    %dma_wait3A_283 = tpu.memref_slice %arg4[%add3A_281, %dma_wait3A_282] : memref<819200x64xf32, #tpu.memory_space<hbm>> -> memref<256x64xf32, #tpu.memory_space<hbm>>
    %dma_wait3A_284 = arith.constant 0 : i32
    %dma_wait3A_285 = tpu.memref_slice %arg4[%add3A_281, %dma_wait3A_284] : memref<819200x64xf32, #tpu.memory_space<hbm>> -> memref<256x64xf32, #tpu.memory_space<hbm>>
    tpu.wait_dma2 semaphore(%arg22 : memref<!tpu.dma_semaphore, #tpu.memory_space<semaphore_mem>>) src(%arg10 : memref<256x64xf32, #tpu.memory_space<vmem>>) dst(%dma_wait3A_285 : memref<256x64xf32, #tpu.memory_space<hbm>>)
    %add3A_286 = arith.constant 100 : i32
    %add3A_287 = arith.addi %mul3A_2, %add3A_286 : i32
    %sub3A_288 = arith.constant 2 : i32
    %sub3A_289 = arith.subi %add3A_287, %sub3A_288 : i32
    %jit3A_290 = arith.constant 16 : i32
    %div3A_291 = arith.divsi %sub3A_289, %jit3A_290 : i32
    %sign3A_292 = arith.constant 0 : i32
    %sign3A_293 = arith.cmpi sgt, %sub3A_289, %sign3A_292 : i32
    %sign3A_294 = arith.extui %sign3A_293 : i1 to i32
    %sign3A_295 = arith.constant 0 : i32
    %sign3A_296 = arith.cmpi slt, %sub3A_289, %sign3A_295 : i32
    %sign3A_297 = arith.extui %sign3A_296 : i1 to i32
    %sign3A_298 = arith.subi %sign3A_294, %sign3A_297 : i32
    %sign3A_299 = arith.constant 0 : i32
    %sign3A_300 = arith.cmpi sgt, %jit3A_290, %sign3A_299 : i32
    %sign3A_301 = arith.extui %sign3A_300 : i1 to i32
    %sign3A_302 = arith.constant 0 : i32
    %sign3A_303 = arith.cmpi slt, %jit3A_290, %sign3A_302 : i32
    %sign3A_304 = arith.extui %sign3A_303 : i1 to i32
    %sign3A_305 = arith.subi %sign3A_301, %sign3A_304 : i32
    %ne3A_306 = arith.cmpi ne, %sign3A_298, %sign3A_305 : i32
    %rem3A_307 = arith.remsi %sub3A_289, %jit3A_290 : i32
    %ne3A_308 = arith.constant 0 : i32
    %ne3A_309 = arith.cmpi ne, %rem3A_307, %ne3A_308 : i32
    %and3A_310 = arith.andi %ne3A_306, %ne3A_309 : i1
    %sub3A_311 = arith.constant 1 : i32
    %sub3A_312 = arith.subi %div3A_291, %sub3A_311 : i32
    %select_n3A_313 = arith.select %and3A_310, %sub3A_312, %div3A_291 : i32
    %rem3A_314 = arith.constant 16 : i32
    %rem3A_315 = arith.remsi %sub3A_289, %rem3A_314 : i32
    %mul3A_316 = arith.constant 4096 : i32
    %mul3A_317 = arith.muli %select_n3A_313, %mul3A_316 : i32
    %mul3A_318 = arith.constant 256 : i32
    %mul3A_319 = arith.muli %rem3A_315, %mul3A_318 : i32
    %add3A_320 = arith.addi %mul3A_317, %mul3A_319 : i32
    %dma_wait3A_321 = arith.constant 0 : i32
    %dma_wait3A_322 = tpu.memref_slice %arg4[%add3A_320, %dma_wait3A_321] : memref<819200x64xf32, #tpu.memory_space<hbm>> -> memref<256x64xf32, #tpu.memory_space<hbm>>
    %dma_wait3A_323 = arith.constant 0 : i32
    %dma_wait3A_324 = tpu.memref_slice %arg4[%add3A_320, %dma_wait3A_323] : memref<819200x64xf32, #tpu.memory_space<hbm>> -> memref<256x64xf32, #tpu.memory_space<hbm>>
    tpu.wait_dma2 semaphore(%arg23 : memref<!tpu.dma_semaphore, #tpu.memory_space<semaphore_mem>>) src(%arg11 : memref<256x64xf32, #tpu.memory_space<vmem>>) dst(%dma_wait3A_324 : memref<256x64xf32, #tpu.memory_space<hbm>>)
    %add3A_325 = arith.constant 100 : i32
    %add3A_326 = arith.addi %mul3A_2, %add3A_325 : i32
    %sub3A_327 = arith.constant 1 : i32
    %sub3A_328 = arith.subi %add3A_326, %sub3A_327 : i32
    %jit3A_329 = arith.constant 16 : i32
    %div3A_330 = arith.divsi %sub3A_328, %jit3A_329 : i32
    %sign3A_331 = arith.constant 0 : i32
    %sign3A_332 = arith.cmpi sgt, %sub3A_328, %sign3A_331 : i32
    %sign3A_333 = arith.extui %sign3A_332 : i1 to i32
    %sign3A_334 = arith.constant 0 : i32
    %sign3A_335 = arith.cmpi slt, %sub3A_328, %sign3A_334 : i32
    %sign3A_336 = arith.extui %sign3A_335 : i1 to i32
    %sign3A_337 = arith.subi %sign3A_333, %sign3A_336 : i32
    %sign3A_338 = arith.constant 0 : i32
    %sign3A_339 = arith.cmpi sgt, %jit3A_329, %sign3A_338 : i32
    %sign3A_340 = arith.extui %sign3A_339 : i1 to i32
    %sign3A_341 = arith.constant 0 : i32
    %sign3A_342 = arith.cmpi slt, %jit3A_329, %sign3A_341 : i32
    %sign3A_343 = arith.extui %sign3A_342 : i1 to i32
    %sign3A_344 = arith.subi %sign3A_340, %sign3A_343 : i32
    %ne3A_345 = arith.cmpi ne, %sign3A_337, %sign3A_344 : i32
    %rem3A_346 = arith.remsi %sub3A_328, %jit3A_329 : i32
    %ne3A_347 = arith.constant 0 : i32
    %ne3A_348 = arith.cmpi ne, %rem3A_346, %ne3A_347 : i32
    %and3A_349 = arith.andi %ne3A_345, %ne3A_348 : i1
    %sub3A_350 = arith.constant 1 : i32
    %sub3A_351 = arith.subi %div3A_330, %sub3A_350 : i32
    %select_n3A_352 = arith.select %and3A_349, %sub3A_351, %div3A_330 : i32
    %rem3A_353 = arith.constant 16 : i32
    %rem3A_354 = arith.remsi %sub3A_328, %rem3A_353 : i32
    %mul3A_355 = arith.constant 4096 : i32
    %mul3A_356 = arith.muli %select_n3A_352, %mul3A_355 : i32
    %mul3A_357 = arith.constant 256 : i32
    %mul3A_358 = arith.muli %rem3A_354, %mul3A_357 : i32
    %add3A_359 = arith.addi %mul3A_356, %mul3A_358 : i32
    %dma_wait3A_360 = arith.constant 0 : i32
    %dma_wait3A_361 = tpu.memref_slice %arg4[%add3A_359, %dma_wait3A_360] : memref<819200x64xf32, #tpu.memory_space<hbm>> -> memref<256x64xf32, #tpu.memory_space<hbm>>
    %dma_wait3A_362 = arith.constant 0 : i32
    %dma_wait3A_363 = tpu.memref_slice %arg4[%add3A_359, %dma_wait3A_362] : memref<819200x64xf32, #tpu.memory_space<hbm>> -> memref<256x64xf32, #tpu.memory_space<hbm>>
    tpu.wait_dma2 semaphore(%arg24 : memref<!tpu.dma_semaphore, #tpu.memory_space<semaphore_mem>>) src(%arg12 : memref<256x64xf32, #tpu.memory_space<vmem>>) dst(%dma_wait3A_363 : memref<256x64xf32, #tpu.memory_space<hbm>>)
    return
  }
}

</mosaic_0001>

<sc_bundles>
// kernel: kernel.3.cloned.1.call-start
scs
__scs_entry_jumppad:
0x0: {  	(pc) =	sbr.rel $0x88, $3  }
0x1: {  	(tag) =	ssettag $0x0;
	lr =	simm.s32 $0x1  }
0x2: {  	[smem:$0x3F9F] =	sst lr;
	_ =	strace $0xD0000000  }
0x3: {  	_ = 	snop  }
0x4: {  	_ = 	snop  }
0x5: {  	_ = 	snop  }
0x6: {  	_ = 	snop  }
0x7: {  	_ = 	snop  }
__scs_overlays_trampoline_lowered:
0x8: {  	[smem:$0x3FAE] =	sst s0  }
0x9: {  	[smem:$0x3FAF] =	sst s1  }
0xa: {  	[smem:$0x3FB0] =	sst s2  }
0xb: {  	[smem:$0x3FB1] =	sst s3  }
0xc: {  	[smem:$0x3FB2] =	sst s4  }
0xd: {  	[smem:$0x3FB3] =	sst s5  }
0xe: {  	[smem:$0x3FB4] =	sst s6  }
0xf: {  	[smem:$0x3FB5] =	sst s7  }
0x10: {  	[smem:$0x3FB6] =	sst s8  }
0x11: {  	[smem:$0x3FB7] =	sst s9;
	s0 =	simm.s32 @!p0 $0x0  }
0x12: {  	s1 =	sld [smem:$0x3F9D];
	s0 =	simm.s32 @p0 $0x1  }
0x13: {  	[smem:$0x3FB8] =	sst s0;
	s0 =	simm.s32 @!p1 $0x0  }
0x14: {  	s2 =	sld [smem:$0x3F9C];
	s0 =	simm.s32 @p1 $0x1  }
0x15: {  	[smem:$0x3FB9] =	sst s0;
	s0 =	simm.s32 @!p2 $0x0  }
0x16: {  	s3 =	sld [smem:$0x3FDB];
	s0 =	simm.s32 @p2 $0x1  }
0x17: {  	s4 =	simm.s32 $0x1BF5;
	[smem:$0x3FBB] =	sst s0  }
0x18: {  	s0 =	sld [smem:$0x3F9E];
	_ =	swait.ge [sflag:s4], $0x0  }
0x19: {  	s7 =	sld [smem:$0x3F9F]  }
0x1a: {  	s8 =	sadd.s32 $0xFFFFE003, lr  }
0x1b: {  	s9 =	sadd.s32 $0xFFFFFEF7, lr;
	s5 =	simm.s32 $0xFFFFFFFF;
	p2 =	slt.u32 s8, $0xFFFFF086  }
0x1c: {  	p1 =	slt.u32 s9, $0xF7A;
	s5 =	simm.s32 @!p2 $0x0  }
0x1d: {  	s5 =	simm.s32 @p1 $0x1;
	p0 =	seq.s32 s7, s2  }
0x1e: {  	s7 =	smul.u32 @!p0 $0xF7A, s2;
	p2 =	seq.s32 @!p0 s5, $0x0  }
0x1f: {  	s9 =	smul.u32 $0xF7A, s1;
	s8 =	simm.s32 @!p0 $0x1BF5;
	p2 =	por !p2, p0  }
0x20: {  	[sflag:s8] =	ssyncset.s32 @!p0 $0xFFFFF086;
	s6 =	sadd.s32 @!p0 s3, s7;
	s7 =	simm.s32 @!p0 $0x108  }
0x21: {  	s3 =	sadd.s32 s3, s9;
	s6 =	sadd.s32 @!p0 $0x88, s6;
	s7 =	simm.s32 @p2 $0x1082  }
0x22: {  	[simem:s7], [sflag:s8] =	dma.local @!p0 [hbm:s6], $0xF7A  }
0x23: {  	s9 =	sor.u32 $0xD0000000, s2;
	s6 =	simm.s32 $0x108;
	_ =	swait.ge @!p0 [sflag:s8], $0x0  }
0x24: {  	s3 =	sadd.s32 $0x88, s3;
	s6 =	simm.s32 @!p1 $0x1082;
	[sflag:s4] =	ssyncset.s32 $0xFFFFF086  }
0x25: {  	[simem:s6], [sflag:s4] =	dma.local [hbm:s3], $0xF7A  }
0x26: {  	[smem:$0x3F9F] =	sst s1;
	(tag) =	ssettag s2;
	_ =	strace s9  }
0x27: {  	s1 =	sld [smem:$0x3FAF]  }
0x28: {  	s2 =	sld [smem:$0x3FB0]  }
0x29: {  	s4 =	sld [smem:$0x3FB2]  }
0x2a: {  	p0 =	seq.s32 s5, $0x0;
	s5 =	sld [smem:$0x3FB3]  }
0x2b: {  	s6 =	sld [smem:$0x3FB4]  }
0x2c: {  	s7 =	sld [smem:$0x3FB5]  }
0x2d: {  	s3 =	simm.s32 $0x108;
	s8 =	sld [smem:$0x3FB6]  }
0x2e: {  	s3 =	simm.s32 @!p0 $0x1082;
	s9 =	sld [smem:$0x3FB7]  }
0x2f: {  	lr =	sadd.s32 s0, s3;
	s0 =	sld [smem:$0x3FAE]  }
0x30: {  	s3 =	sld [smem:$0x3FB1]  }
0x31: {  	[smem:$0x3FBA] =	sst s10  }
0x32: {  	s10 =	sld [smem:$0x3FB8];
	_ =	sdelay $0x3  }
0x33: {  	p0 =	seq.s32 s10, $0x1;
	s10 =	sld [smem:$0x3FBA];
	_ =	sdelay $0x3  }
0x34: {  	[smem:$0x3FBA] =	sst s10  }
0x35: {  	s10 =	sld [smem:$0x3FB9];
	_ =	sdelay $0x3  }
0x36: {  	p1 =	seq.s32 s10, $0x1;
	s10 =	sld [smem:$0x3FBA];
	_ =	sdelay $0x3  }
0x37: {  	[smem:$0x3FBA] =	sst s10  }
0x38: {  	s10 =	sld [smem:$0x3FBB]  }
0x39: {  	_ = 	snop;
	(pc) =	sbr.ind lr, $3  }
0x3a: {  	_ = 	snop  }
0x3b: {  	_ = 	snop  }
0x3c: {  	p2 =	seq.s32 s10, $0x1;
	s10 =	sld [smem:$0x3FBA]  }
0x3d: {  	_ =	shalt  }
0x3e: {  	_ =	shalt  }
0x3f: {  	_ =	shalt  }
0x40: {  	_ =	shalt  }
0x41: {  	_ =	shalt  }
0x42: {  	_ =	shalt  }
0x43: {  	_ =	shalt  }
0x44: {  	_ =	shalt  }
0x45: {  	_ =	shalt  }
0x46: {  	_ =	shalt  }
0x47: {  	_ =	shalt  }
0x48: {  	_ =	shalt  }
0x49: {  	_ =	shalt  }
0x4a: {  	_ =	shalt  }
0x4b: {  	_ =	shalt  }
0x4c: {  	_ =	shalt  }
0x4d: {  	_ =	shalt  }
0x4e: {  	_ =	shalt  }
0x4f: {  	_ =	shalt  }
0x50: {  	_ =	shalt  }
0x51: {  	_ =	shalt  }
0x52: {  	_ =	shalt  }
0x53: {  	_ =	shalt  }
0x54: {  	_ =	shalt  }
0x55: {  	_ =	shalt  }
0x56: {  	_ =	shalt  }
0x57: {  	_ =	shalt  }
0x58: {  	_ =	shalt  }
0x59: {  	_ =	shalt  }
0x5a: {  	_ =	shalt  }
0x5b: {  	_ =	shalt  }
0x5c: {  	_ =	shalt  }
0x5d: {  	_ =	shalt  }
0x5e: {  	_ =	shalt  }
0x5f: {  	_ =	shalt  }
0x60: {  	_ =	shalt  }
0x61: {  	_ =	shalt  }
0x62: {  	_ =	shalt  }
0x63: {  	_ =	shalt  }
0x64: {  	_ =	shalt  }
0x65: {  	_ =	shalt  }
0x66: {  	_ =	shalt  }
0x67: {  	_ =	shalt  }
0x68: {  	_ =	shalt  }
0x69: {  	_ =	shalt  }
0x6a: {  	_ =	shalt  }
0x6b: {  	_ =	shalt  }
0x6c: {  	_ =	shalt  }
0x6d: {  	_ =	shalt  }
0x6e: {  	_ =	shalt  }
0x6f: {  	_ =	shalt  }
0x70: {  	_ =	shalt  }
0x71: {  	_ =	shalt  }
0x72: {  	_ =	shalt  }
0x73: {  	_ =	shalt  }
0x74: {  	_ =	shalt  }
0x75: {  	_ =	shalt  }
0x76: {  	_ =	shalt  }
0x77: {  	_ =	shalt  }
0x78: {  	_ =	shalt  }
0x79: {  	_ =	shalt  }
0x7a: {  	_ =	shalt  }
0x7b: {  	_ =	shalt  }
0x7c: {  	_ =	shalt  }
0x7d: {  	_ =	shalt  }
0x7e: {  	_ =	shalt  }
0x7f: {  	_ =	shalt  }
0x80: {  	_ =	shalt  }
0x81: {  	_ =	shalt  }
0x82: {  	_ =	shalt  }
0x83: {  	_ =	shalt  }
0x84: {  	_ =	shalt  }
0x85: {  	_ =	shalt  }
0x86: {  	_ =	shalt  }
0x87: {  	_ =	shalt  }
.Lfunc_end0:
.L_simem_size_0:
called_computation.1_lowered:
.L_overlay_start_0:
0x88: {  	s2 =	sld [smem:$0x3FD9]  }
0x89: {  	s3 =	sld [smem:$0x3FFE];
	_ =	sdelay $0x1  }
0x8a: {  	s1 =	srdreg.scid  }
0x8b: {  	s0 =	sand.u32 $0x1, s1  }
0x8c: {  	s17 =	sshll.u32 s0, $0xA;
	s2 =	sadd.s32 s3, s2  }
0x8d: {  	s2 =	sadd.s32 s2, s17  }
0x8e: {  	[smem:$0x3FC6] =	sst s2  }
0x8f: {  	_ = 	snop  }
0x90: {  	s2 =	sld [smem:$0x3FD0];
	(tm) =	ssettm $0x1  }
0x91: {  	s18 =	sld [smem:$0x3FFB];
	_ =	sdelay $0x3  }
0x92: {  	_ =	strace s18  }
0x93: {  	s3 =	sld [smem:$0x3FFC];
	_ =	sdelay $0x3  }
0x94: {  	_ =	strace s3  }
0x95: {  	s3 =	sld [smem:$0x3FFD];
	_ =	sdelay $0x3  }
0x96: {  	_ =	strace s3  }
0x97: {  	_ =	strace $0x8FFFFFFF  }
0x98: {  	s19 =	sld [smem:$0x3FDB];
	_ =	sdelay $0x1  }
0x99: {  	s4 =	simm.s32 $_scs_section_size  }
0x9a: {  	s5 =	simm.s32 $_size__tile_overlayer_lowered;
	s6 =	simm.s32 $_tile_overlayer_lowered  }
0x9b: {  	s22 =	simm.s32 $0x1BFF;
	s21 =	sshll.u32 s6, $0x1;
	s3 =	sadd.s32 s4, s19  }
0x9c: {  	s7 =	simm.s32 $0x0;
	s20 =	sshll.u32 s5, $0x1;
	s5 =	sadd.s32 s21, s3  }
0x9d: {  	[timem:s7], [sflag:s22] =	dma.local [hbm:s5], s20  }
0x9e: {  	_ =	swait.ge [sflag:s22], s20  }
0x9f: {  	s4 =	ssub.s32 $0x0, s20;
	[sflag:s22] =	ssyncset.done $0x0  }
0xa0: {  	[sflag:s22] =	ssyncadd.s32 s4;
	_ =	sdelay $0x1  }
0xa1: {  	s23 =	simm.s32 $0x1B8B  }
0xa2: {  	_ =	swait.ge [sflag:s23], $0x1  }
0xa3: {  	[sflag:s23] =	ssyncset.done $0x0  }
0xa4: {  	s25 =	simm.s32 $0x1B8E;
	s24 =	sld [smem:$0x3FFE];
	[sflag:s23] =	ssyncadd.s32 $0xFFFFFFFF  }
0xa5: {  	s26 =	simm.s32 $execute0_lowered;
	[smem:$0x3FD2] =	sst s25  }
0xa6: {  	s5 =	sshll.u32 s26, $0x1;
	_ =	strace $0x80000046;
	[dreg:$0x1] =	wrdreg $0xFFFFFFFF  }
0xa7: {  	s28 =	simm.s32 $_size_execute0_lowered;
	s3 =	sadd.s32 s3, s5;
	[dreg:$0x0] =	wrdreg $0x0  }
0xa8: {  	s5 =	sshll.u32 s28, $0x1;
	[dreg:$0x2] =	wrdreg s3  }
0xa9: {  	[dreg:$0x3] =	wrdreg s5  }
0xaa: {  	[dreg:$0x4] =	wrdreg $0xC0  }
0xab: {  	_ =	task [dreg:s7], $0x5FFFF  }
0xac: {  	[dreg:$0x1] =	wrdreg $0xFFFFFFFF  }
0xad: {  	[dreg:$0x0] =	wrdreg $0x60  }
0xae: {  	[dreg:$0x2] =	wrdreg s24  }
0xaf: {  	[dreg:$0x3] =	wrdreg s2  }
0xb0: {  	[dreg:$0x4] =	wrdreg $0x9  }
0xb1: {  	_ =	task.clear_ibuf [dreg:s7], $0x5FFFF;
	_ =	strace $0x90000046  }
0xb2: {  	s29 =	simm.s32 $0x9;
	_ =	strace $0x80000048  }
0xb3: {  	_ =	swait.ge [sflag:s29], $0x1  }
0xb4: {  	[sflag:s29] =	ssyncadd.s32 $0xFFFFFFFF  }
0xb5: {  	_ =	strace $0x90000048  }
0xb6: {  	_ =	sfence  }
0xb7: {  	s30 =	sld [smem:$0x0];
	_ =	sdelay $0x2  }
0xb8: {  	s31 =	sshll.u32 s1, $0xD;
	s1 =	sshrl.u32 s1, $0x2  }
0xb9: {  	s3 =	sand.u32 $0x4000, s31;
	s1 =	sadd.s32 s1, s30  }
0xba: {  	s0 =	sor.u32 s3, s0;
	s1 =	sshll.u32 s1, $0x11  }
0xbb: {  	s0 =	sor.u32 s1, s0  }
0xbc: {  	s0 =	sadd.s32 $0x8F2B, s0  }
0xbd: {  	[sflag:s0] =	ssyncadd.remote.s32 $0x1  }
0xbe: {  	_ =	sfence.sel $0xFFFF  }
0xbf: {  	[dreg:$0x0] =	wrdreg $0xFFFFFFFF;
	(pc) =	sbr.abs _section_cstart, $3  }
0xc0: {  	[dreg:$0x1] =	wrdreg $0xFFFFFFFF  }
0xc1: {  	_ =	task.clear_ibuf [dreg:s7], $0x2FFFF;
	_ =	strace $0x9FFFFFFF  }
0xc2: {  	(tm) =	ssettm $0x7FFFFFFF  }
0xc3: {  	_ =	shalt  }
tec
execute0_lowered:
.L_overlay_start_1:
0x0: {  	(tag) =	ssettag $0x1  }
0x1: {  	s0 =	srdreg.scid;
	s1 =	rddreg [dreg:$0x0]  }
0x2: {  	s10 =	stileid.u32;
	s2 =	rddreg [dreg:$0x1];
	s12 =	simm.s32 $0x100  }
0x3: {  	s13 =	simm.s32 $0x200;
	s14 =	simm.s32 $0x300;
	s15 =	simm.s32 $0x1  }
0x4: {  	s16 =	simm.s32 $0x400;
	s17 =	simm.s32 $0x2;
	s18 =	simm.s32 $0x4400  }
0x5: {  	s19 =	simm.s32 $0x5;
	s20 =	simm.s32 $0x3;
	s28 =	simm.s32 $0x9  }
0x6: {  	s29 =	simm.s32 $0xA;
	s30 =	simm.s32 $0xB;
	s8 =	smul.u32 $0x1900, s10  }
0x7: {  	s0 =	sand.u32 $0x1, s0;
	s3 =	sshll.u32 s10, $0x1;
	s11 =	smul.u32 $0x64000, s10  }
0x8: {  	s31 =	simm.s32 $0xC;
	s4 =	sor.u32 s0, s3;
	s23 =	smul.u32 $0xC80, s0  }
0x9: {  	s3 =	simm.s32 $0x0;
	s22 =	ssub.s32 $0x2, s0;
	s0 =	smul.u32 $0x32000, s0  }
0xa: {  	s7 =	sadd.s32 $0xA00, s1;
	s5 =	smul.u32 $0x6400, s4;
	[smem:$0x7FF] =	sst s3  }
0xb: {  	s4 =	sshll.u32 s4, $0xA;
	s9 =	sshrl.u32 s22, $0x1;
	_ =	strace $0x80000047  }
0xc: {  	s6 =	sand.u32 $0xC00, s4;
	s0 =	sadd.s32 s0, s11;
	s5 =	sand.u32 $0xFF000, s5  }
0xd: {  	s4 =	sadd.s32 $0xF42E00, s1;
	[dreg:$0x7] =	wrdreg s0;
	s21 =	sor.u32 s6, s5  }
0xe: {  	s6 =	ssub.s32 s22, s9;
	s22 =	simm.s32 $0x6;
	s1 =	sshrl.u32 s21, $0x3  }
0xf: {  	s6 =	smax.u32 s6, $0x1;
	s21 =	simm.s32 $0x8400;
	s5 =	sadd.s32 s7, s1  }
.Ltmp0:
0x10: {  	[dreg:$0x6] =	wrdreg s6;
	s24 =	sadd.s32 $0x20, s5;
	(pc) =	sbr.rel .LBB2_1-.Ltmp0, $4  }
0x11: {  	s7 =	sadd.s32 s8, s7;
	s25 =	sadd.s32 $0x40, s5;
	[dreg:$0x3] =	wrdreg s24  }
0x12: {  	s1 =	simm.s32 $0x0;
	s26 =	sadd.s32 $0x60, s5;
	[dreg:$0x4] =	wrdreg s25  }
0x13: {  	s10 =	sadd.s32 s23, s7;
	s23 =	simm.s32 $0x4;
	[dreg:$0x5] =	wrdreg s26  }
0x14: {  	s24 =	simm.s32 $0xC400;
	s25 =	simm.s32 $0x7;
	s26 =	simm.s32 $0x8  }
.LBB2_7:
0x15: {  	_ =	swait.ge [sflag:s26], $0x4000  }
0x16: {  	[sflag:s26] =	ssyncset.done $0x0  }
0x17: {  	[sflag:s26] =	ssyncadd.s32 $0xFFFFC000  }
0x18: {  	[hbm4b:s7+s3] =	stream.linear.scatter [tilespmem:s24], [sflag:$0xC], $0x4000, $0x38;
	[tilespmem:$0x10400] =	vst v63  }
0x19: {  	_ =	swait.ge [sflag:s28], $0x4000  }
0x1a: {  	[sflag:s28] =	ssyncset.done $0x0  }
0x1b: {  	[sflag:s28] =	ssyncadd.s32 $0xFFFFC000  }
0x1c: {  	_ =	swait.ge [sflag:s29], $0x4000  }
0x1d: {  	[sflag:s29] =	ssyncset.done $0x0  }
0x1e: {  	[sflag:s29] =	ssyncadd.s32 $0xFFFFC000  }
0x1f: {  	_ =	swait.ge [sflag:s30], $0x4000  }
0x20: {  	[sflag:s30] =	ssyncset.done $0x0  }
0x21: {  	[sflag:s30] =	ssyncadd.s32 $0xFFFFC000  }
0x22: {  	_ =	swait.ge [sflag:s31], $0x4000  }
0x23: {  	s1 =	sadd.s32 $0x1, s1;
	s0 =	rddreg [dreg:$0x6]  }
0x24: {  	p0 =	sne.s32 s1, s0  }
.Ltmp1:
0x25: {  	_ = 	snop;
	(pc) =	sbr.rel @!p0 .LBB2_8-.Ltmp1, $3  }
0x26: {  	_ =	sdelay $0x1  }
0x27: {  	[sflag:s31] =	ssyncset.done $0x0  }
0x28: {  	[sflag:s31] =	ssyncadd.s32 $0xFFFFC000  }
.LBB2_1:
0x29: {  	[tilespmem:s3], [sflag:$0x1] =	stream.linear.gather [hbm4b:s5+s3], $0x100, $0x38;
	[tilespmem:$0x10400] =	vst v63  }
0x2a: {  	s0 =	rddreg [dreg:$0x3]  }
0x2b: {  	[tilespmem:s12], [sflag:$0x2] =	stream.linear.gather [hbm4b:s0+s3], $0x100, $0x38;
	[tilespmem:$0x10400] =	vst v63  }
0x2c: {  	s9 =	rddreg [dreg:$0x4]  }
0x2d: {  	[tilespmem:s13], [sflag:$0x3] =	stream.linear.gather [hbm4b:s9+s3], $0x100, $0x38;
	[tilespmem:$0x10400] =	vst v63  }
0x2e: {  	s11 =	rddreg [dreg:$0x5]  }
0x2f: {  	[tilespmem:s14], [sflag:$0x4] =	stream.linear.gather [hbm4b:s11+s3], $0x100, $0x38;
	[tilespmem:$0x10400] =	vst v63  }
0x30: {  	_ =	swait.ge [sflag:s15], $0x100  }
0x31: {  	[sflag:s15] =	ssyncset.done $0x0  }
0x32: {  	[sflag:s15] =	ssyncadd.s32 $0xFFFFFF00  }
0x33: {  	[tilespmem:s16], [sflag:$0x5] =	stream.indirect.gather [hbm4b:s4+s12], $0x40, s3, s12, $0xb8;
	[tilespmem:$0x10400] =	vst v63  }
0x34: {  	_ =	swait.ge [sflag:s17], $0x100  }
0x35: {  	[sflag:s17] =	ssyncset.done $0x0  }
0x36: {  	s6 =	simm.s32 $0x0;
	s11 =	rddreg [dreg:$0x7];
	[sflag:s17] =	ssyncadd.s32 $0xFFFFFF00  }
0x37: {  	[tilespmem:s18], [sflag:$0x6] =	stream.indirect.gather [hbm4b:s4+s12], $0x40, s12, s12, $0xb8;
	[tilespmem:$0x10400] =	vst v63  }
.LBB2_2:
0x38: {  	p0 =	seq.s32 s6, $0xC00  }
0x39: {  	_ =	swait.ge [sflag:s19], $0x4000;
	p1 =	seq.s32 @!p0 s6, $0x0  }
0x3a: {  	[sflag:s19] =	ssyncset.done $0x0;
	p1 =	por p0, !p1  }
.Ltmp2:
0x3b: {  	s7 =	sadd.s32 s11, s2;
	[sflag:s19] =	ssyncadd.s32 $0xFFFFC000;
	(pc) =	sbr.rel @!p1 .LBB2_3-.Ltmp2, $4  }
0x3c: {  	[hbm4b:s7+s3] =	stream.linear.scatter [tilespmem:s16], [sflag:$0x9], $0x4000, $0x38;
	[tilespmem:$0x10400] =	vst v63  }
0x3d: {  	s7 =	sadd.s32 @!p0 s6, s10  }
0x3e: {  	s8 =	simm.s32 @!p0 $0x0;
	s9 =	sadd.s32 @!p0 $0x80, s7  }
0x3f: {  	[tilespmem:s8], [sflag:$0x1] =	stream.linear.gather @!p0 [hbm4b:s9+s8], $0x100, $0x38;
	[tilespmem:$0x10400] =	vst v63  }
.Ltmp3:
0x40: {  	(pc) =	sbr.rel .LBB2_5-.Ltmp3, $4  }
0x41: {  	_ = 	snop  }
0x42: {  	_ =	swait.ge [sflag:s30], $0x4000  }
0x43: {  	[sflag:s30] =	ssyncset.done $0x0  }
0x44: {  	p1 =	por $0x0, $0x0;
	[sflag:s30] =	ssyncadd.s32 $0xFFFFC000  }
.LBB2_3:
0x45: {  	p1 =	por @!p0 $0x1, $0x1  }
.LBB2_5:
0x46: {  	_ =	swait.ge [sflag:s20], $0x100  }
0x47: {  	[sflag:s20] =	ssyncset.done $0x0  }
0x48: {  	s9 =	sand.u32 $0xFFF8000, s11;
	[sflag:s20] =	ssyncadd.s32 $0xFFFFFF00  }
0x49: {  	[tilespmem:s21], [sflag:$0x7] =	stream.indirect.gather [hbm4b:s4+s12], $0x40, s13, s12, $0xb8;
	[tilespmem:$0x10400] =	vst v63  }
0x4a: {  	s0 =	sand.u32 $0x6000, s11;
	s9 =	sadd.s32 s2, s9;
	_ =	swait.ge [sflag:s22], $0x4000  }
0x4b: {  	s0 =	sadd.s32 s0, s9;
	[sflag:s22] =	ssyncset.done $0x0  }
0x4c: {  	s9 =	sadd.s32 $0x800, s0;
	[sflag:s22] =	ssyncadd.s32 $0xFFFFC000  }
0x4d: {  	[hbm4b:s9+s3] =	stream.linear.scatter [tilespmem:s18], [sflag:$0xA], $0x4000, $0x38;
	[tilespmem:$0x10400] =	vst v63  }
0x4e: {  	s7 =	sadd.s32 @!p0 $0xA0, s7;
	s9 =	simm.s32 @!p0 $0x100  }
0x4f: {  	[tilespmem:s9], [sflag:$0x2] =	stream.linear.gather @!p0 [hbm4b:s7+s8], $0x100, $0x38;
	[tilespmem:$0x10400] =	vst v63  }
0x50: {  	s7 =	simm.s32 @!p1 $0xC  }
0x51: {  	_ =	swait.ge @!p1 [sflag:s7], $0x4000  }
0x52: {  	[sflag:s7] =	ssyncset.done @!p1 $0x0  }
0x53: {  	[sflag:s7] =	ssyncadd.s32 @!p1 $0xFFFFC000  }
0x54: {  	_ =	swait.ge [sflag:s23], $0x100  }
0x55: {  	[sflag:s23] =	ssyncset.done $0x0  }
0x56: {  	[sflag:s23] =	ssyncadd.s32 $0xFFFFFF00  }
0x57: {  	[tilespmem:s24], [sflag:$0x8] =	stream.indirect.gather [hbm4b:s4+s12], $0x40, s14, s12, $0xb8;
	[tilespmem:$0x10400] =	vst v63  }
.Ltmp4:
0x58: {  	_ = 	snop;
	(pc) =	sbr.rel @p0 .LBB2_7-.Ltmp4, $4  }
0x59: {  	_ =	swait.ge [sflag:s25], $0x4000  }
0x5a: {  	[sflag:s25] =	ssyncset.done $0x0  }
0x5b: {  	s9 =	sadd.s32 $0x1000, s0;
	s7 =	sadd.s32 $0x1800, s0;
	[sflag:s25] =	ssyncadd.s32 $0xFFFFC000  }
0x5c: {  	[hbm4b:s9+s3] =	stream.linear.scatter [tilespmem:s21], [sflag:$0xB], $0x4000, $0x38;
	[tilespmem:$0x10400] =	vst v63  }
0x5d: {  	s0 =	sadd.s32 s6, s10  }
0x5e: {  	s8 =	sadd.s32 $0xC0, s0  }
0x5f: {  	[tilespmem:s13], [sflag:$0x3] =	stream.linear.gather [hbm4b:s8+s3], $0x100, $0x38;
	[tilespmem:$0x10400] =	vst v63  }
0x60: {  	_ =	swait.ge [sflag:s28], $0x4000  }
0x61: {  	[sflag:s28] =	ssyncset.done $0x0  }
0x62: {  	[sflag:s28] =	ssyncadd.s32 $0xFFFFC000  }
0x63: {  	_ =	swait.ge [sflag:s15], $0x100  }
0x64: {  	[sflag:s15] =	ssyncset.done $0x0  }
0x65: {  	[sflag:s15] =	ssyncadd.s32 $0xFFFFFF00  }
0x66: {  	[tilespmem:s16], [sflag:$0x5] =	stream.indirect.gather [hbm4b:s4+s12], $0x40, s3, s12, $0xb8;
	[tilespmem:$0x10400] =	vst v63  }
0x67: {  	_ =	swait.ge [sflag:s26], $0x4000  }
0x68: {  	[sflag:s26] =	ssyncset.done $0x0  }
0x69: {  	[sflag:s26] =	ssyncadd.s32 $0xFFFFC000  }
0x6a: {  	[hbm4b:s7+s3] =	stream.linear.scatter [tilespmem:s24], [sflag:$0xC], $0x4000, $0x38;
	[tilespmem:$0x10400] =	vst v63  }
0x6b: {  	s0 =	sadd.s32 $0xE0, s0  }
0x6c: {  	[tilespmem:s14], [sflag:$0x4] =	stream.linear.gather [hbm4b:s0+s3], $0x100, $0x38;
	[tilespmem:$0x10400] =	vst v63  }
0x6d: {  	_ =	swait.ge [sflag:s29], $0x4000  }
0x6e: {  	[sflag:s29] =	ssyncset.done $0x0  }
.Ltmp5:
0x6f: {  	[sflag:s29] =	ssyncadd.s32 $0xFFFFC000;
	(pc) =	sbr.rel .LBB2_2-.Ltmp5, $4  }
0x70: {  	_ =	swait.ge [sflag:s17], $0x100  }
0x71: {  	[sflag:s17] =	ssyncset.done $0x0  }
0x72: {  	s6 =	sadd.s32 $0x80, s6;
	s11 =	sadd.s32 $0x2000, s11;
	[sflag:s17] =	ssyncadd.s32 $0xFFFFFF00  }
0x73: {  	[tilespmem:s18], [sflag:$0x6] =	stream.indirect.gather [hbm4b:s4+s12], $0x40, s12, s12, $0xb8;
	[tilespmem:$0x10400] =	vst v63  }
.LBB2_8:
0x74: {  	_ =	sfence.sel $0x180000  }
0x75: {  	[bflag:$0x0] =	sbarrier.arrive $0xFFFF  }
0x76: {  	_ =	strace $0x90000047  }
0x77: {  	s0 =	stileid.u32;
	[bflag:$0x2] =	sbarrier.arrive $0xFFFF  }
0x78: {  	p0 =	sne.s32 s0, $0x0;
	s0 =	rddreg [dreg:$0x2]  }
0x79: {  	s0 =	sadd.s32 @!p0 $0x100000, s0  }
0x7a: {  	[sflag:s0] =	ssyncadd.tile.s32 @!p0 $0x1;
	_ =	shalt  }
.Lfunc_end2:
_tile_overlayer_lowered:
.L_overlay_start_2:
0x7b: {  	(tag) =	ssettag $0x2  }
0x7c: {  	s0 =	rddreg [dreg:$0x0];
	s2 =	stileid.u32  }
0x7d: {  	s1 =	rddreg [dreg:$0x1];
	p0 =	sne.s32 s2, $0x0  }
0x7e: {  	s3 =	rddreg [dreg:$0x2];
	[bflag:$0x3] =	sbarrier.arrive $0xFFFF;
	s2 =	simm.s32 @!p0 $0x1C0D  }
0x7f: {  	[timem:s3], [sflag:s2] =	dma.local @!p0 [hbm:s0], s1  }
0x80: {  	s0 =	simm.s32 @!p0 $0xD  }
0x81: {  	_ =	swait.ge @!p0 [sflag:s0], s1  }
0x82: {  	s1 =	ssub.s32 @!p0 $0x0, s1;
	[sflag:s0] =	ssyncset.done @!p0 $0x0  }
0x83: {  	[sflag:s0] =	ssyncadd.s32 @!p0 s1  }
0x84: {  	[bflag:$0x3] =	sbarrier.arrive $0xFFFF  }
0x85: {  	_ =	shalt  }

// kernel: sparse-core-data-format-call.cloned.1.call-start
scs
called_computation_lowered:
.L_overlay_start_0:
0x0: {  	s2 =	sld [smem:$0x3FD9]  }
0x1: {  	s3 =	sld [smem:$0x3FFE];
	_ =	sdelay $0x1  }
0x2: {  	s1 =	srdreg.scid  }
0x3: {  	s0 =	sand.u32 $0x1, s1  }
0x4: {  	s18 =	sshll.u32 s0, $0xA;
	s2 =	sadd.s32 s3, s2  }
0x5: {  	s2 =	sadd.s32 s2, s18  }
0x6: {  	[smem:$0x3FC6] =	sst s2  }
0x7: {  	_ = 	snop  }
0x8: {  	s2 =	sld [smem:$0x3FD0];
	(tm) =	ssettm $0x1  }
0x9: {  	s19 =	sld [smem:$0x3FFB];
	_ =	sdelay $0x3  }
0xa: {  	_ =	strace s19  }
0xb: {  	s3 =	sld [smem:$0x3FFC];
	_ =	sdelay $0x3  }
0xc: {  	_ =	strace s3  }
0xd: {  	s3 =	sld [smem:$0x3FFD];
	_ =	sdelay $0x3  }
0xe: {  	_ =	strace s3  }
0xf: {  	_ =	strace $0x8FFFFFFF  }
0x10: {  	s20 =	sld [smem:$0x3FDB];
	_ =	sdelay $0x1  }
0x11: {  	s4 =	simm.s32 $_scs_section_size  }
0x12: {  	s5 =	simm.s32 $_size__tile_overlayer_lowered;
	s6 =	simm.s32 $_tile_overlayer_lowered  }
0x13: {  	s23 =	simm.s32 $0x1BFF;
	s22 =	sshll.u32 s6, $0x1;
	s3 =	sadd.s32 s4, s20  }
0x14: {  	s7 =	simm.s32 $0x0;
	s21 =	sshll.u32 s5, $0x1;
	s5 =	sadd.s32 s22, s3  }
0x15: {  	[timem:s7], [sflag:s23] =	dma.local [hbm:s5], s21  }
0x16: {  	_ =	swait.ge [sflag:s23], s21  }
0x17: {  	s4 =	ssub.s32 $0x0, s21;
	[sflag:s23] =	ssyncset.done $0x0  }
0x18: {  	[sflag:s23] =	ssyncadd.s32 s4;
	_ =	sdelay $0x1  }
0x19: {  	s24 =	simm.s32 $0x1B8B  }
0x1a: {  	_ =	swait.ge [sflag:s24], $0x1  }
0x1b: {  	[sflag:s24] =	ssyncset.done $0x0  }
0x1c: {  	s26 =	simm.s32 $0x1B8E;
	s25 =	sld [smem:$0x3FFE];
	[sflag:s24] =	ssyncadd.s32 $0xFFFFFFFF  }
0x1d: {  	s27 =	simm.s32 $execute0_lowered;
	[smem:$0x3FD2] =	sst s26  }
0x1e: {  	s5 =	sshll.u32 s27, $0x1;
	_ =	strace $0x80000049;
	[dreg:$0x1] =	wrdreg $0xFFFFFFFF  }
0x1f: {  	s28 =	simm.s32 $_size_execute0_lowered;
	s3 =	sadd.s32 s3, s5;
	[dreg:$0x0] =	wrdreg $0x0  }
0x20: {  	s5 =	sshll.u32 s28, $0x1;
	[dreg:$0x2] =	wrdreg s3  }
0x21: {  	[dreg:$0x3] =	wrdreg s5  }
0x22: {  	[dreg:$0x4] =	wrdreg $0xC0  }
0x23: {  	_ =	task [dreg:s7], $0x5FFFF  }
0x24: {  	[dreg:$0x1] =	wrdreg $0xFFFFFFFF  }
0x25: {  	[dreg:$0x0] =	wrdreg $0x60  }
0x26: {  	[dreg:$0x2] =	wrdreg s25  }
0x27: {  	[dreg:$0x3] =	wrdreg s2  }
0x28: {  	[dreg:$0x4] =	wrdreg $0x9  }
0x29: {  	_ =	task.clear_ibuf [dreg:s7], $0x5FFFF;
	_ =	strace $0x90000049  }
0x2a: {  	s29 =	simm.s32 $0x9;
	_ =	strace $0x8000004B  }
0x2b: {  	_ =	swait.ge [sflag:s29], $0x1  }
0x2c: {  	[sflag:s29] =	ssyncadd.s32 $0xFFFFFFFF  }
0x2d: {  	_ =	strace $0x9000004B  }
0x2e: {  	_ =	sfence  }
0x2f: {  	s30 =	sld [smem:$0x0];
	_ =	sdelay $0x2  }
0x30: {  	s31 =	sshll.u32 s1, $0xD;
	s1 =	sshrl.u32 s1, $0x2  }
0x31: {  	s3 =	sand.u32 $0x4000, s31;
	s1 =	sadd.s32 s1, s30  }
0x32: {  	s0 =	sor.u32 s3, s0;
	s1 =	sshll.u32 s1, $0x11  }
0x33: {  	s0 =	sor.u32 s1, s0  }
0x34: {  	s0 =	sadd.s32 $0x8F2B, s0  }
0x35: {  	[sflag:s0] =	ssyncadd.remote.s32 $0x1  }
0x36: {  	_ =	sfence.sel $0xFFFF  }
0x37: {  	[dreg:$0x0] =	wrdreg $0xFFFFFFFF;
	(pc) =	sbr.abs _section_cstart, $3  }
0x38: {  	[dreg:$0x1] =	wrdreg $0xFFFFFFFF  }
0x39: {  	_ =	task.clear_ibuf [dreg:s7], $0x2FFFF;
	_ =	strace $0x9FFFFFFF  }
0x3a: {  	(tm) =	ssettm $0x7FFFFFFF  }
0x3b: {  	_ =	shalt  }
tec
execute0_lowered:
.L_overlay_start_1:
0x0: {  	(tag) =	ssettag $0x1  }
0x1: {  	s0 =	srdreg.scid  }
0x2: {  	s1 =	sshll.u32 s0, $0x4  }
0x3: {  	s5 =	rddreg [dreg:$0x0];
	s0 =	stileid.u32;
	s1 =	sand.u32 $0x10, s1  }
0x4: {  	s3 =	rddreg [dreg:$0x1];
	s31 =	simm.s32 $0x2;
	s4 =	sor.u32 s0, s1  }
0x5: {  	s13 =	simm.s32 $0x0;
	s9 =	simm.s32 $0x400;
	s2 =	sshll.u32 s4, $0x7  }
0x6: {  	s10 =	simm.s32 $0x8000;
	s14 =	simm.s32 $0x0;
	s6 =	ssub.s32 $0x1000, s2  }
0x7: {  	s1 =	rddreg [dreg:$0x2];
	_ =	strace $0x8000004A;
	s7 =	sand.u32 $0xF80, s6  }
0x8: {  	s4 =	sshll.u32 s4, $0xB;
	p0 =	sne.s32 s7, $0x0;
	s7 =	simm.s32 $0x1  }
.Ltmp0:
0x9: {  	s6 =	sshrl.u32 s6, $0xC;
	s7 =	simm.s32 @!p0 $0x0;
	(pc) =	sbr.rel .LBB1_1-.Ltmp0, $4  }
0xa: {  	s8 =	sadd.s32 s4, s5;
	s4 =	simm.s32 $0x1;
	s30 =	sadd.s32 s7, s6  }
0xb: {  	s11 =	simm.s32 $0x0;
	[sflag:s4] =	ssyncpa.u1 $0x0;
	s5 =	smul.u32 $0x64, s30  }
0xc: {  	s12 =	simm.s32 $0x0;
	[sflag:s31] =	ssyncpa.u1 $0x0;
	p0 =	por $0x0, $0x0  }
0xd: {  	s6 =	sadd.s32 $0xA00, s8;
	s7 =	sadd.s32 $0x10A00, s8;
	s8 =	sor.u32 $0x1, s5  }
.LBB1_7:
0xe: {  	s15 =	sadd.s32 $0x2, s11  }
0xf: {  	p2 =	sgt.s32 s15, $0xC7  }
0x10: {  	s15 =	simm.s32 @p2 $0x0;
	p2 =	sne.s32 s12, s8  }
.Ltmp1:
0x11: {  	p1 =	slt.u32 s12, $0x2;
	(pc) =	sbr.rel @!p2 .LBB1_8-.Ltmp1, $4  }
0x12: {  	s13 =	simm.s32 @!p1 $0x2  }
0x13: {  	s16 =	sadd.s32 $0x1, s12;
	s14 =	smov.u32 s11;
	_ =	swait.ge @!p1 [sflag:s13], $0x4000  }
0x14: {  	p0 =	por !p0, !p0;
	s12 =	smov.u32 s16;
	[sflag:s13] =	ssyncset.done @!p1 $0x0  }
0x15: {  	s11 =	smov.u32 s15;
	[sflag:s13] =	ssyncadd.s32 @!p1 $0xFFFFC000;
	s13 =	smov.u32 s2  }
.LBB1_1:
0x16: {  	p1 =	sge.u32 s12, s5  }
0x17: {  	s15 =	sxor.u32 @!p1 $0xFFFFFFFF, s12  }
0x18: {  	s16 =	sshll.u32 @!p1 s11, $0x10;
	s18 =	simm.s32 @!p1 $0x40;
	s15 =	sshll.u32 @!p1 s15, $0xE  }
0x19: {  	s19 =	simm.s32 @!p1 $0x80;
	s17 =	sadd.s32 @!p1 s16, s6;
	s15 =	sand.u32 @!p1 $0x4000, s15  }
0x1a: {  	[tilespmem:s15], [sflag:$0x1] =	stream.strided.gather @!p1 [hbm4b:s17+s18], $0x2000, s19, s18, $0x38;
	[tilespmem:$0x10100] =	vst v63  }
0x1b: {  	s31 =	sadd.s32 $0xFFFFFFFF, s12;
	s16 =	sadd.s32 @!p1 s16, s7;
	s15 =	sor.u32 @!p1 $0x2000, s15  }
0x1c: {  	[tilespmem:s15], [sflag:$0x1] =	stream.strided.gather @!p1 [hbm4b:s16+s18], $0x2000, s19, s18, $0x38;
	[tilespmem:$0x10100] =	vst v63  }
0x1d: {  	p1 =	sge.u32 s31, s5  }
.Ltmp2:
0x1e: {  	_ = 	snop;
	(pc) =	sbr.rel @p1 .LBB1_7-.Ltmp2, $1  }
0x1f: {  	_ =	sdelay $0x3  }
0x20: {  	s15 =	simm.s32 $0x1;
	s17 =	sand.u32 $0x1, s12  }
0x21: {  	_ =	swait.ge [sflag:s4], $0x4000;
	s15 =	simm.s32 @!p0 $0x0;
	s17 =	smul.u32 $0x10200, s17  }
0x22: {  	p2 =	por $0x1, $0x1;
	[sflag:s4] =	ssyncset.done $0x0;
	s16 =	smul.u32 $0x10200, s15  }
0x23: {  	s18 =	sshll.u32 s15, $0x10;
	[sflag:s4] =	ssyncadd.s32 $0xFFFFC000;
	s30 =	sshrl.u32 s17, $0x2  }
0x24: {  	s31 =	sshrl.u32 s18, $0x2;
	s18 =	simm.s32 $0x0;
	s16 =	sshrl.u32 s16, $0x2  }
0x25: {  	s15 =	sor.u32 $0x8000, s30;
	s17 =	sadd.s32 $0x20, s31;
	s16 =	sor.u32 $0x8000, s16  }
.LBB1_3:
0x26: {  	s19 =	sshll.u32 s18, $0xD  }
0x27: {  	s19 =	sand.u32 $0x3FFFE000, s19  }
0x28: {  	s21 =	sadd.s32 s19, s17  }
0x29: {  	s31 =	smul.u32 $0x8100, s18;
	v3 =	vld [tilespmem:s21+$0x10]  }
0x2a: {  	v1 =	vld [tilespmem:s21+$0xFFFFFFF0]  }
0x2b: {  	s18 =	sshra.s32 s31, $0x2;
	v0 =	vld [tilespmem:s21+$0x0]  }
0x2c: {  	s18 =	sadd.s32 s18, s16;
	v2 =	vld [tilespmem:s21+$0xFFFFFFE0]  }
0x2d: {  	s19 =	sadd.s32 $0x0, s18  }
0x2e: {  	p1 =	por p2, p2;
	s20 =	simm.s32 $0x4;
	s21 =	sadd.s32 $0x40, s21;
	[tilespmem:s19+$0x1830 ss:$0x81] =	vst.msk $0xffff, v3  }
.LBB1_4:
0x2f: {  	v3 =	vld [tilespmem:s21+$0x10];
	p2 =	sne.s32 s20, $0x1FC;
	[tilespmem:s19+$0x810 ss:$0x81] =	vst.msk $0xffff, v1;
	s22 =	smov.u32 s20;
	s20 =	sadd.s32 $0x4, s20  }
.Ltmp3:
0x30: {  	v1 =	vld [tilespmem:s21+$0xFFFFFFF0];
	[tilespmem:s19+$0x1020 ss:$0x81] =	vst.msk $0xffff, v0;
	(pc) =	sbr.rel @p2 .LBB1_4-.Ltmp3, $4  }
0x31: {  	v0 =	vld [tilespmem:s21+$0x0];
	[tilespmem:s19+$0x0 ss:$0x81] =	vst.msk $0xffff, v2  }
0x32: {  	s19 =	sshra.s32 s22, $0x2;
	v2 =	vld [tilespmem:s21+$0xFFFFFFE0]  }
0x33: {  	s19 =	sadd.s32 s19, s18  }
0x34: {  	s21 =	sadd.s32 $0x40, s21;
	[tilespmem:s19+$0x1830 ss:$0x81] =	vst.msk $0xffff, v3  }
.Ltmp4:
0x35: {  	(pc) =	sbr.rel @p1 .LBB1_3-.Ltmp4, $4  }
0x36: {  	_ = 	snop  }
0x37: {  	[tilespmem:s19+$0x810 ss:$0x81] =	vst.msk $0xffff, v1  }
0x38: {  	[tilespmem:s19+$0x1020 ss:$0x81] =	vst.msk $0xffff, v0  }
0x39: {  	s18 =	simm.s32 $0x1;
	p2 =	por $0x0, $0x0;
	[tilespmem:s19+$0x0 ss:$0x81] =	vst.msk $0xffff, v2  }
.Ltmp5:
0x3a: {  	(pc) =	sbr.rel .LBB1_7-.Ltmp5, $4  }
0x3b: {  	s14 =	sshll.u32 s14, $0xF  }
0x3c: {  	s14 =	sadd.s32 s3, s14  }
0x3d: {  	s13 =	sadd.s32 s13, s14  }
0x3e: {  	[hbm4b:s13+s9] =	stream.strided.scatter [tilespmem:s15], [sflag:$0x2], $0x4000, s10, s9, $0x20;
	[tilespmem:$0x10100] =	vst v63  }
.LBB1_8:
0x3f: {  	_ =	sfence.sel $0x180000  }
0x40: {  	s2 =	simm.s32 $0x1;
	[bflag:$0x0] =	sbarrier.arrive $0xFFFF  }
0x41: {  	s31 =	simm.s32 $0x2;
	[sflag:s2] =	ssyncpa.u1 $0x1  }
0x42: {  	[sflag:s31] =	ssyncpa.u1 $0x1  }
0x43: {  	p0 =	sne.s32 s0, $0x0;
	_ =	strace $0x9000004A  }
0x44: {  	s0 =	sadd.s32 @!p0 $0x100000, s1;
	[bflag:$0x2] =	sbarrier.arrive $0xFFFF  }
0x45: {  	[sflag:s0] =	ssyncadd.tile.s32 @!p0 $0x1;
	_ =	shalt  }
.Lfunc_end1:
_tile_overlayer_lowered:
.L_overlay_start_2:
0x46: {  	(tag) =	ssettag $0x2  }
0x47: {  	s0 =	rddreg [dreg:$0x0];
	s2 =	stileid.u32  }
0x48: {  	s1 =	rddreg [dreg:$0x1];
	p0 =	sne.s32 s2, $0x0  }
0x49: {  	s3 =	rddreg [dreg:$0x2];
	[bflag:$0x3] =	sbarrier.arrive $0xFFFF;
	s2 =	simm.s32 @!p0 $0x1C01  }
0x4a: {  	[timem:s3], [sflag:s2] =	dma.local @!p0 [hbm:s0], s1  }
0x4b: {  	s0 =	simm.s32 @!p0 $0x1  }
0x4c: {  	_ =	swait.ge @!p0 [sflag:s0], s1  }
0x4d: {  	s1 =	ssub.s32 @!p0 $0x0, s1;
	[sflag:s0] =	ssyncset.done @!p0 $0x0  }
0x4e: {  	[sflag:s0] =	ssyncadd.s32 @!p0 s1  }
0x4f: {  	[bflag:$0x3] =	sbarrier.arrive $0xFFFF  }
0x50: {  	_ =	shalt  }

</sc_bundles>
